<compile_context>
chip_gen: v7x
topology: tpu7x:2x2x1
jax: 0.10.2.dev20260603
libtpu: 0.0.44.dev20260713+nightly
codegen_flags: <defaults>
</compile_context>

<pallas_src>
import jax
import jax.numpy as jnp
from jax import lax
from jax.experimental import pallas as pl
from jax.experimental.pallas import tpu as pltpu
from jax.experimental.pallas import tpu_sc as plsc

B, S, T, D = 16, 4096, 4096, 1024
L = 16
NC, NS = 2, 16
NW = NC * NS
ROWS_PER_W = (B * T) // NW
K = 32
NCHUNK = ROWS_PER_W // K
VPC = K // L
MAXQ = 16


def _sc_body(enc_hbm, steps_hbm, tgt_hbm, out_hbm, mask_hbm,
             steps_v, tgt_v, idx_a, idx_b, rows_a, rows_b, mask_v,
             gsem_a, gsem_b, wsem):
    wid = lax.axis_index("s") * NC + lax.axis_index("c")
    b = wid // 2
    h = (wid + b) % 2
    t0 = h * ROWS_PER_W
    row0 = b * T + t0

    pltpu.sync_copy(steps_hbm.at[wid], steps_v)
    pltpu.sync_copy(tgt_hbm.at[wid], tgt_v)
    steps = steps_v[...]
    tgt = tgt_v[...]
    tgt_s = tgt[0]
    base_flat = jnp.full((L,), b * S, jnp.int32)

    def mask_chunk(c, carry):
        for j in range(VPC):
            t_i = t0 + c * K + j * L + lax.iota(jnp.int32, 16)
            mask_v[pl.ds(c * K + j * L, L)] = jnp.where(
                t_i < tgt, jnp.float32(1.0), jnp.float32(0.0))
        return carry

    lax.fori_loop(0, NCHUNK, mask_chunk, 0)
    pltpu.sync_copy(mask_v, mask_hbm.at[pl.ds(row0, ROWS_PER_W)])

    def compute_chunk(c, idx_ref):
        for j in range(VPC):
            t_i = t0 + c * K + j * L + lax.iota(jnp.int32, 16)
            x = steps * t_i.astype(jnp.float32)
            f = x.astype(jnp.int32)
            fr = x - f.astype(jnp.float32)
            half = jnp.float32(0.5)
            odd = (f & 1) == 1
            inc = jnp.where((fr > half) | ((fr == half) & odd), 1, 0)
            r = jnp.minimum(jnp.maximum(f + inc, 0), S - 1)
            m = t_i < tgt
            idx_ref[pl.ds(j * L, L)] = base_flat + jnp.where(m, r, 1)

    def gather(idx_ref, rows_ref, sem):
        return pltpu.make_async_copy(enc_hbm.at[idx_ref], rows_ref, sem)

    def wb(c, rows_ref):
        pltpu.sync_copy(rows_ref, out_hbm.at[pl.ds(row0 + c * K, K)])

    n_un = jnp.minimum(jnp.maximum(tgt_s - t0, 0), ROWS_PER_W)
    nch = (n_un + (K - 1)) // K
    npairs = (nch + 1) // 2
    c_tail = 2 * npairs
    n_tail = NCHUNK - c_tail

    @pl.when(npairs > 0)
    def _prologue():
        compute_chunk(0, idx_a)
        gather(idx_a, rows_a, gsem_a).start()

    def pair(k, carry):
        c0 = 2 * k
        compute_chunk(c0 + 1, idx_b)
        gather(idx_b, rows_b, gsem_b).start()
        gather(idx_a, rows_a, gsem_a).wait()
        wb(c0, rows_a)
        compute_chunk(c0 + 2, idx_a)
        gather(idx_a, rows_a, gsem_a).start()
        gather(idx_b, rows_b, gsem_b).wait()
        wb(c0 + 1, rows_b)
        return carry

    lax.fori_loop(0, npairs - 1, pair, 0)

    @pl.when(npairs > 0)
    def _epilogue():
        c0 = 2 * npairs - 2
        compute_chunk(c0 + 1, idx_b)
        gather(idx_b, rows_b, gsem_b).start()
        gather(idx_a, rows_a, gsem_a).wait()
        wb(c0, rows_a)
        gather(idx_b, rows_b, gsem_b).wait()
        wb(c0 + 1, rows_b)

    @pl.when(n_tail > 0)
    def _fill():
        for j in range(VPC):
            idx_a[pl.ds(j * L, L)] = base_flat + 1
        gather(idx_a, rows_a, gsem_a).start()
        gather(idx_a, rows_a, gsem_a).wait()

    def wb_async():
        return pltpu.make_async_copy(
            rows_a, out_hbm.at[pl.ds(row0, K)], wsem)

    def tail_wb(c, carry):
        pltpu.make_async_copy(
            rows_a, out_hbm.at[pl.ds(row0 + c * K, K)], wsem).start()

        @pl.when(c >= c_tail + MAXQ)
        def _():
            wb_async().wait()
        return carry

    lax.fori_loop(c_tail, NCHUNK, tail_wb, 0)

    def drain(j, carry):
        wb_async().wait()
        return carry

    lax.fori_loop(0, jnp.minimum(n_tail, MAXQ), drain, 0)


@jax.jit
def _sc_call(enc2, steps_w, tgt_w):
    mesh = plsc.VectorSubcoreMesh(core_axis_name="c", subcore_axis_name="s")
    fn = pl.kernel(
        _sc_body,
        out_type=(
            jax.ShapeDtypeStruct((B * T, D), jnp.float32),
            jax.ShapeDtypeStruct((B * T,), jnp.float32),
        ),
        mesh=mesh,
        scratch_types=[
            pltpu.VMEM((L,), jnp.float32),
            pltpu.VMEM((L,), jnp.int32),
            pltpu.VMEM((K,), jnp.int32),
            pltpu.VMEM((K,), jnp.int32),
            pltpu.VMEM((K, D), jnp.float32),
            pltpu.VMEM((K, D), jnp.float32),
            pltpu.VMEM((ROWS_PER_W,), jnp.float32),
            pltpu.SemaphoreType.DMA,
            pltpu.SemaphoreType.DMA,
            pltpu.SemaphoreType.DMA,
        ],
    )
    return fn(enc2, steps_w, tgt_w)


def kernel(enc, src_lens, tgt_lens):
    enc2 = enc.reshape(B * S, D)
    steps = (src_lens.astype(jnp.float32) - 1.0) / (
        tgt_lens.astype(jnp.float32) - 1.0)
    steps_w = jnp.broadcast_to(jnp.repeat(steps, NW // B)[:, None], (NW, L))
    tgt_w = jnp.broadcast_to(
        jnp.repeat(tgt_lens.astype(jnp.int32), NW // B)[:, None], (NW, L))
    out, masks = _sc_call(enc2, steps_w, tgt_w)
    return out.reshape(B, T, D), masks.reshape(B, T)

# --- scband reference (transcript-rebuilt; emitter-appended) ---
"""Pipeline reference for scband-length-predictor-bridge-45569603011120 (READ-ONLY COPY).

The authoritative reference and input builder live on the scoring server;
editing this copy changes nothing except your own understanding.
"""

import jax, jax.numpy as jnp
import numpy as np

B, S, T, D = 16, 4096, 4096, 1024

def setup_inputs(seed: int = 0) -> dict:
    key = jax.random.key(seed)
    k1, k2, k3 = jax.random.split(key, 3)
    enc = jax.random.normal(k1, (B, S, D), dtype=jnp.float32)
    # ragged source / target lengths in [512, S]
    src_lens = jax.random.randint(k2, (B,), 512, S + 1).astype(jnp.int32)
    tgt_lens = jax.random.randint(k3, (B,), 512, T + 1).astype(jnp.int32)
    return {"enc": enc, "src_lens": src_lens, "tgt_lens": tgt_lens}

def reference(enc, src_lens, tgt_lens):
    # len_opt='fixed', train/valid_with_predict=False -> decoder length = oracle target length
    dec_len = tgt_lens
    # sequence_mask(dec_len) with static max_trg_len = T
    dec_masks = (jnp.arange(T)[None, :] < dec_len[:, None]).astype(jnp.float32)
    # compute_for_dec with decoder_input_how='copy'
    src_l = src_lens.astype(jnp.float32) - 1.0
    trg_l = dec_len.astype(jnp.float32) - 1.0
    steps = src_l / trg_l
    index_s = jnp.round(steps[:, None] * jnp.arange(T, dtype=jnp.float32)[None, :]).astype(jnp.int32)
    # apply_mask(attention, decoder_masks, p=1): masked positions -> index 1
    index_s = jnp.where(dec_masks > 0, index_s, 1)
    index_s = jnp.clip(index_s, 0, S - 1)
    # enc.gather(1, attention expanded over d_model)
    dec_inputs = jnp.take_along_axis(enc, index_s[:, :, None], axis=1)
    return dec_inputs, dec_masks

if __name__ == "__main__":
    import jax
    _d = setup_inputs()
    print(jax.jit(kernel)(*tuple(_d.values())))

</pallas_src>

<mosaic_0001>
#map = affine_map<(d0, d1) -> (0, 0)>
#map1 = affine_map<(d0, d1) -> (0)>
module attributes {stable_mosaic.version = 14 : i64} {
  func.func @_sc_body(%arg0: i32, %arg1: i32, %arg2: memref<65536x1024xf32, #tpu.memory_space<hbm>>, %arg3: memref<32x16xf32, #tpu.memory_space<hbm>>, %arg4: memref<32x16xi32, #tpu.memory_space<hbm>>, %arg5: memref<65536x1024xf32, #tpu.memory_space<hbm>>, %arg6: memref<65536xf32, #tpu.memory_space<hbm>>, %arg7: memref<16xf32, #tpu.memory_space<vmem>>, %arg8: memref<16xi32, #tpu.memory_space<vmem>>, %arg9: memref<32xi32, #tpu.memory_space<vmem>>, %arg10: memref<32xi32, #tpu.memory_space<vmem>>, %arg11: memref<32x1024xf32, #tpu.memory_space<vmem>>, %arg12: memref<32x1024xf32, #tpu.memory_space<vmem>>, %arg13: memref<2048xf32, #tpu.memory_space<vmem>>, %arg14: memref<!tpu.dma_semaphore, #tpu.memory_space<semaphore_mem>>, %arg15: memref<!tpu.dma_semaphore, #tpu.memory_space<semaphore_mem>>, %arg16: memref<!tpu.dma_semaphore, #tpu.memory_space<semaphore_mem>>) attributes {dimension_semantics = [#tpu.dimension_semantics<core_parallel>, #tpu.dimension_semantics<subcore_parallel>], iteration_bounds = array<i64: 2, 16>, scalar_prefetch = 0 : i64, scratch_operands = 10 : i64, tpu.core_type = #tpu.core_type<sc_vector_subcore>, window_params = [{transform_indices = #map}, {transform_indices = #map}, {transform_indices = #map}, {transform_indices = #map}, {transform_indices = #map1}]} {
    %mul3A = arith.constant 2 : i32
    %mul3A_0 = arith.muli %arg1, %mul3A : i32
    %add3A = arith.addi %mul3A_0, %arg0 : i32
    %jit3A = arith.constant 2 : i32
    %div3A = arith.divsi %add3A, %jit3A : i32
    %sign3A = arith.constant 0 : i32
    %sign3A_1 = arith.cmpi sgt, %add3A, %sign3A : i32
    %sign3A_2 = arith.extui %sign3A_1 : i1 to i32
    %sign3A_3 = arith.constant 0 : i32
    %sign3A_4 = arith.cmpi slt, %add3A, %sign3A_3 : i32
    %sign3A_5 = arith.extui %sign3A_4 : i1 to i32
    %sign3A_6 = arith.subi %sign3A_2, %sign3A_5 : i32
    %sign3A_7 = arith.constant 0 : i32
    %sign3A_8 = arith.cmpi sgt, %jit3A, %sign3A_7 : i32
    %sign3A_9 = arith.extui %sign3A_8 : i1 to i32
    %sign3A_10 = arith.constant 0 : i32
    %sign3A_11 = arith.cmpi slt, %jit3A, %sign3A_10 : i32
    %sign3A_12 = arith.extui %sign3A_11 : i1 to i32
    %sign3A_13 = arith.subi %sign3A_9, %sign3A_12 : i32
    %ne3A = arith.cmpi ne, %sign3A_6, %sign3A_13 : i32
    %rem3A = arith.remsi %add3A, %jit3A : i32
    %ne3A_14 = arith.constant 0 : i32
    %ne3A_15 = arith.cmpi ne, %rem3A, %ne3A_14 : i32
    %and3A = arith.andi %ne3A, %ne3A_15 : i1
    %sub3A = arith.constant 1 : i32
    %sub3A_16 = arith.subi %div3A, %sub3A : i32
    %select_n3A = arith.select %and3A, %sub3A_16, %div3A : i32
    %add3A_17 = arith.addi %add3A, %select_n3A : i32
    %jit3A_18 = arith.constant 2 : i32
    %eq3A = arith.constant 0 : i32
    %eq3A_19 = arith.cmpi eq, %jit3A_18, %eq3A : i32
    %jit3A_20 = arith.constant 1 : i32
    %select_n3A_21 = arith.select %eq3A_19, %jit3A_20, %jit3A_18 : i32
    %rem3A_22 = arith.remsi %add3A_17, %select_n3A_21 : i32
    %ne3A_23 = arith.constant 0 : i32
    %ne3A_24 = arith.cmpi ne, %rem3A_22, %ne3A_23 : i32
    %lt3A = arith.constant 0 : i32
    %lt3A_25 = arith.cmpi slt, %rem3A_22, %lt3A : i32
    %lt3A_26 = arith.constant 0 : i32
    %lt3A_27 = arith.cmpi slt, %select_n3A_21, %lt3A_26 : i32
    %ne3A_28 = arith.xori %lt3A_25, %lt3A_27 : i1
    %and3A_29 = arith.andi %ne3A_28, %ne3A_24 : i1
    %add3A_30 = arith.addi %rem3A_22, %select_n3A_21 : i32
    %select_n3A_31 = arith.select %and3A_29, %add3A_30, %rem3A_22 : i32
    %mul3A_32 = arith.constant 2048 : i32
    %mul3A_33 = arith.muli %select_n3A_31, %mul3A_32 : i32
    %mul3A_34 = arith.constant 4096 : i32
    %mul3A_35 = arith.muli %select_n3A, %mul3A_34 : i32
    %add3A_36 = arith.addi %mul3A_35, %mul3A_33 : i32
    "tpu.region"() ({
      %run_scoped3A = tpu.sem_alloc : memref<!tpu.dma_semaphore, #tpu.memory_space<semaphore_mem>>
      %dma_start3A = arith.constant 0 : i32
      %dma_start3A_153 = tpu.memref_slice %arg3[%add3A, %dma_start3A] : memref<32x16xf32, #tpu.memory_space<hbm>> -> memref<1x16xf32, #tpu.memory_space<hbm>>
      %dma_start3A_154 = tpu.memref_squeeze %dma_start3A_153 : memref<1x16xf32, #tpu.memory_space<hbm>> -> memref<16xf32, #tpu.memory_space<hbm>>
      %dma_start3A_155 = arith.constant 0 : i32
      %dma_start3A_156 = tpu.memref_slice %arg3[%add3A, %dma_start3A_155] : memref<32x16xf32, #tpu.memory_space<hbm>> -> memref<1x16xf32, #tpu.memory_space<hbm>>
      %dma_start3A_157 = tpu.memref_squeeze %dma_start3A_156 : memref<1x16xf32, #tpu.memory_space<hbm>> -> memref<16xf32, #tpu.memory_space<hbm>>
      tpu.enqueue_dma source(%dma_start3A_157 : memref<16xf32, #tpu.memory_space<hbm>>) target(%arg7 : memref<16xf32, #tpu.memory_space<vmem>>) target_semaphore(%run_scoped3A : memref<!tpu.dma_semaphore, #tpu.memory_space<semaphore_mem>>)
      %dma_wait3A = arith.constant 0 : i32
      %dma_wait3A_158 = tpu.memref_slice %arg3[%add3A, %dma_wait3A] : memref<32x16xf32, #tpu.memory_space<hbm>> -> memref<1x16xf32, #tpu.memory_space<hbm>>
      %dma_wait3A_159 = tpu.memref_squeeze %dma_wait3A_158 : memref<1x16xf32, #tpu.memory_space<hbm>> -> memref<16xf32, #tpu.memory_space<hbm>>
      %dma_wait3A_160 = arith.constant 0 : i32
      %dma_wait3A_161 = tpu.memref_slice %arg3[%add3A, %dma_wait3A_160] : memref<32x16xf32, #tpu.memory_space<hbm>> -> memref<1x16xf32, #tpu.memory_space<hbm>>
      %dma_wait3A_162 = tpu.memref_squeeze %dma_wait3A_161 : memref<1x16xf32, #tpu.memory_space<hbm>> -> memref<16xf32, #tpu.memory_space<hbm>>
      tpu.wait_dma2 semaphore(%run_scoped3A : memref<!tpu.dma_semaphore, #tpu.memory_space<semaphore_mem>>) src(%dma_wait3A_162 : memref<16xf32, #tpu.memory_space<hbm>>) dst(%arg7 : memref<16xf32, #tpu.memory_space<vmem>>)
      tpu.yield
    }) : () -> ()
    "tpu.region"() ({
      %run_scoped3A = tpu.sem_alloc : memref<!tpu.dma_semaphore, #tpu.memory_space<semaphore_mem>>
      %dma_start3A = arith.constant 0 : i32
      %dma_start3A_153 = tpu.memref_slice %arg4[%add3A, %dma_start3A] : memref<32x16xi32, #tpu.memory_space<hbm>> -> memref<1x16xi32, #tpu.memory_space<hbm>>
      %dma_start3A_154 = tpu.memref_squeeze %dma_start3A_153 : memref<1x16xi32, #tpu.memory_space<hbm>> -> memref<16xi32, #tpu.memory_space<hbm>>
      %dma_start3A_155 = arith.constant 0 : i32
      %dma_start3A_156 = tpu.memref_slice %arg4[%add3A, %dma_start3A_155] : memref<32x16xi32, #tpu.memory_space<hbm>> -> memref<1x16xi32, #tpu.memory_space<hbm>>
      %dma_start3A_157 = tpu.memref_squeeze %dma_start3A_156 : memref<1x16xi32, #tpu.memory_space<hbm>> -> memref<16xi32, #tpu.memory_space<hbm>>
      tpu.enqueue_dma source(%dma_start3A_157 : memref<16xi32, #tpu.memory_space<hbm>>) target(%arg8 : memref<16xi32, #tpu.memory_space<vmem>>) target_semaphore(%run_scoped3A : memref<!tpu.dma_semaphore, #tpu.memory_space<semaphore_mem>>)
      %dma_wait3A = arith.constant 0 : i32
      %dma_wait3A_158 = tpu.memref_slice %arg4[%add3A, %dma_wait3A] : memref<32x16xi32, #tpu.memory_space<hbm>> -> memref<1x16xi32, #tpu.memory_space<hbm>>
      %dma_wait3A_159 = tpu.memref_squeeze %dma_wait3A_158 : memref<1x16xi32, #tpu.memory_space<hbm>> -> memref<16xi32, #tpu.memory_space<hbm>>
      %dma_wait3A_160 = arith.constant 0 : i32
      %dma_wait3A_161 = tpu.memref_slice %arg4[%add3A, %dma_wait3A_160] : memref<32x16xi32, #tpu.memory_space<hbm>> -> memref<1x16xi32, #tpu.memory_space<hbm>>
      %dma_wait3A_162 = tpu.memref_squeeze %dma_wait3A_161 : memref<1x16xi32, #tpu.memory_space<hbm>> -> memref<16xi32, #tpu.memory_space<hbm>>
      tpu.wait_dma2 semaphore(%run_scoped3A : memref<!tpu.dma_semaphore, #tpu.memory_space<semaphore_mem>>) src(%dma_wait3A_162 : memref<16xi32, #tpu.memory_space<hbm>>) dst(%arg8 : memref<16xi32, #tpu.memory_space<vmem>>)
      tpu.yield
    }) : () -> ()
    %get3A = arith.constant 0 : index
    %get3A_37 = tpu.vector_load %arg7[%get3A] {strides = array<i32>} : memref<16xf32, #tpu.memory_space<vmem>>, vector<16xf32>,
    %get3A_38 = vector.shape_cast %get3A_37 : vector<16xf32> to vector<16xf32>
    %get3A_39 = arith.constant 0 : index
    %get3A_40 = tpu.vector_load %arg8[%get3A_39] {strides = array<i32>} : memref<16xi32, #tpu.memory_space<vmem>>, vector<16xi32>,
    %get3A_41 = vector.shape_cast %get3A_40 : vector<16xi32> to vector<16xi32>
    %slice3A = vector.extract_strided_slice %get3A_41 {offsets = [0], sizes = [1], strides = [1]} : vector<16xi32> to vector<1xi32>
    %squeeze3A = vector.extract %slice3A[0] : i32 from vector<1xi32>
    %mul3A_42 = arith.constant 4096 : i32
    %mul3A_43 = arith.muli %select_n3A, %mul3A_42 : i32
    %broadcast_in_dim3A = vector.broadcast %mul3A_43 : i32 to vector<16xi32>
    %scan3A = arith.constant 0 : i32
    %scan3A_44 = arith.constant 0 : i32
    %scan3A_45 = arith.constant 64 : i32
    %scan3A_46 = arith.addi %scan3A_44, %scan3A_45 : i32
    %scan3A_47 = arith.constant 1 : i32
    scf.for %scan3A_153 = %scan3A_44 to %scan3A_46 step %scan3A_47  : i32 {
      %mul3A_154 = arith.constant 32 : i32
      %mul3A_155 = arith.muli %scan3A_153, %mul3A_154 : i32
      %add3A_156 = arith.addi %mul3A_33, %mul3A_155 : i32
      %add3A_157 = arith.constant 0 : i32
      %add3A_158 = arith.addi %add3A_156, %add3A_157 : i32
      %iota3A = tpu.iota {dimensions = array<i32: 0>} : vector<16xi32>
      %add3A_159 = vector.broadcast %add3A_158 : i32 to vector<16xi32>
      %add3A_160 = arith.addi %add3A_159, %iota3A : vector<16xi32>
      %lt3A_161 = arith.cmpi slt, %add3A_160, %get3A_41 : vector<16xi32>
      %jit3A_162 = arith.constant 1.000000e+00 : f32
      %jit3A_163 = arith.constant 0.000000e+00 : f32
      %broadcast_in_dim3A_164 = vector.broadcast %jit3A_162 : f32 to vector<16xf32>
      %broadcast_in_dim3A_165 = vector.broadcast %jit3A_163 : f32 to vector<16xf32>
      %select_n3A_166 = arith.select %lt3A_161, %broadcast_in_dim3A_164, %broadcast_in_dim3A_165 : vector<16xi1>, vector<16xf32>
      %mul3A_167 = arith.constant 32 : i32
      %mul3A_168 = arith.muli %scan3A_153, %mul3A_167 : i32
      %add3A_169 = arith.constant 0 : i32
      %add3A_170 = arith.addi %mul3A_168, %add3A_169 : i32
      %swap3A = arith.index_cast %add3A_170 : i32 to index
      %swap3A_171 = tpu.vector_load %arg13[%swap3A] {strides = array<i32>} : memref<2048xf32, #tpu.memory_space<vmem>>, vector<16xf32>,
      %swap3A_172 = vector.shape_cast %swap3A_171 : vector<16xf32> to vector<16xf32>
      %swap3A_173 = vector.shape_cast %select_n3A_166 : vector<16xf32> to vector<16xf32>
      tpu.vector_store %arg13[%swap3A], %swap3A_173 {strides = array<i32>} : memref<2048xf32, #tpu.memory_space<vmem>>, vector<16xf32>,
      %mul3A_174 = arith.constant 32 : i32
      %mul3A_175 = arith.muli %scan3A_153, %mul3A_174 : i32
      %add3A_176 = arith.addi %mul3A_33, %mul3A_175 : i32
      %add3A_177 = arith.constant 16 : i32
      %add3A_178 = arith.addi %add3A_176, %add3A_177 : i32
      %iota3A_179 = tpu.iota {dimensions = array<i32: 0>} : vector<16xi32>
      %add3A_180 = vector.broadcast %add3A_178 : i32 to vector<16xi32>
      %add3A_181 = arith.addi %add3A_180, %iota3A_179 : vector<16xi32>
      %lt3A_182 = arith.cmpi slt, %add3A_181, %get3A_41 : vector<16xi32>
      %jit3A_183 = arith.constant 1.000000e+00 : f32
      %jit3A_184 = arith.constant 0.000000e+00 : f32
      %broadcast_in_dim3A_185 = vector.broadcast %jit3A_183 : f32 to vector<16xf32>
      %broadcast_in_dim3A_186 = vector.broadcast %jit3A_184 : f32 to vector<16xf32>
      %select_n3A_187 = arith.select %lt3A_182, %broadcast_in_dim3A_185, %broadcast_in_dim3A_186 : vector<16xi1>, vector<16xf32>
      %mul3A_188 = arith.constant 32 : i32
      %mul3A_189 = arith.muli %scan3A_153, %mul3A_188 : i32
      %add3A_190 = arith.constant 16 : i32
      %add3A_191 = arith.addi %mul3A_189, %add3A_190 : i32
      %swap3A_192 = arith.index_cast %add3A_191 : i32 to index
      %swap3A_193 = tpu.vector_load %arg13[%swap3A_192] {strides = array<i32>} : memref<2048xf32, #tpu.memory_space<vmem>>, vector<16xf32>,
      %swap3A_194 = vector.shape_cast %swap3A_193 : vector<16xf32> to vector<16xf32>
      %swap3A_195 = vector.shape_cast %select_n3A_187 : vector<16xf32> to vector<16xf32>
      tpu.vector_store %arg13[%swap3A_192], %swap3A_195 {strides = array<i32>} : memref<2048xf32, #tpu.memory_space<vmem>>, vector<16xf32>,
    }
    %scan3A_48 = arith.constant 64 : i32
    "tpu.region"() ({
      %run_scoped3A = tpu.sem_alloc : memref<!tpu.dma_semaphore, #tpu.memory_space<semaphore_mem>>
      %dma_start3A = tpu.memref_slice %arg6[%add3A_36] : memref<65536xf32, #tpu.memory_space<hbm>> -> memref<2048xf32, #tpu.memory_space<hbm>>
      %dma_start3A_153 = tpu.memref_slice %arg6[%add3A_36] : memref<65536xf32, #tpu.memory_space<hbm>> -> memref<2048xf32, #tpu.memory_space<hbm>>
      tpu.enqueue_dma source(%arg13 : memref<2048xf32, #tpu.memory_space<vmem>>) target(%dma_start3A_153 : memref<2048xf32, #tpu.memory_space<hbm>>) target_semaphore(%run_scoped3A : memref<!tpu.dma_semaphore, #tpu.memory_space<semaphore_mem>>)
      %dma_wait3A = tpu.memref_slice %arg6[%add3A_36] : memref<65536xf32, #tpu.memory_space<hbm>> -> memref<2048xf32, #tpu.memory_space<hbm>>
      %dma_wait3A_154 = tpu.memref_slice %arg6[%add3A_36] : memref<65536xf32, #tpu.memory_space<hbm>> -> memref<2048xf32, #tpu.memory_space<hbm>>
      tpu.wait_dma2 semaphore(%run_scoped3A : memref<!tpu.dma_semaphore, #tpu.memory_space<semaphore_mem>>) src(%arg13 : memref<2048xf32, #tpu.memory_space<vmem>>) dst(%dma_wait3A_154 : memref<2048xf32, #tpu.memory_space<hbm>>)
      tpu.yield
    }) : () -> ()
    %sub3A_49 = arith.subi %squeeze3A, %mul3A_33 : i32
    %max3A = arith.constant 0 : i32
    %max3A_50 = arith.maxsi %sub3A_49, %max3A : i32
    %min3A = arith.constant 2048 : i32
    %min3A_51 = arith.minsi %max3A_50, %min3A : i32
    %add3A_52 = arith.constant 31 : i32
    %add3A_53 = arith.addi %min3A_51, %add3A_52 : i32
    %jit3A_54 = arith.constant 32 : i32
    %div3A_55 = arith.divsi %add3A_53, %jit3A_54 : i32
    %sign3A_56 = arith.constant 0 : i32
    %sign3A_57 = arith.cmpi sgt, %add3A_53, %sign3A_56 : i32
    %sign3A_58 = arith.extui %sign3A_57 : i1 to i32
    %sign3A_59 = arith.constant 0 : i32
    %sign3A_60 = arith.cmpi slt, %add3A_53, %sign3A_59 : i32
    %sign3A_61 = arith.extui %sign3A_60 : i1 to i32
    %sign3A_62 = arith.subi %sign3A_58, %sign3A_61 : i32
    %sign3A_63 = arith.constant 0 : i32
    %sign3A_64 = arith.cmpi sgt, %jit3A_54, %sign3A_63 : i32
    %sign3A_65 = arith.extui %sign3A_64 : i1 to i32
    %sign3A_66 = arith.constant 0 : i32
    %sign3A_67 = arith.cmpi slt, %jit3A_54, %sign3A_66 : i32
    %sign3A_68 = arith.extui %sign3A_67 : i1 to i32
    %sign3A_69 = arith.subi %sign3A_65, %sign3A_68 : i32
    %ne3A_70 = arith.cmpi ne, %sign3A_62, %sign3A_69 : i32
    %rem3A_71 = arith.remsi %add3A_53, %jit3A_54 : i32
    %ne3A_72 = arith.constant 0 : i32
    %ne3A_73 = arith.cmpi ne, %rem3A_71, %ne3A_72 : i32
    %and3A_74 = arith.andi %ne3A_70, %ne3A_73 : i1
    %sub3A_75 = arith.constant 1 : i32
    %sub3A_76 = arith.subi %div3A_55, %sub3A_75 : i32
    %select_n3A_77 = arith.select %and3A_74, %sub3A_76, %div3A_55 : i32
    %add3A_78 = arith.constant 1 : i32
    %add3A_79 = arith.addi %select_n3A_77, %add3A_78 : i32
    %jit3A_80 = arith.constant 2 : i32
    %div3A_81 = arith.divsi %add3A_79, %jit3A_80 : i32
    %sign3A_82 = arith.constant 0 : i32
    %sign3A_83 = arith.cmpi sgt, %add3A_79, %sign3A_82 : i32
    %sign3A_84 = arith.extui %sign3A_83 : i1 to i32
    %sign3A_85 = arith.constant 0 : i32
    %sign3A_86 = arith.cmpi slt, %add3A_79, %sign3A_85 : i32
    %sign3A_87 = arith.extui %sign3A_86 : i1 to i32
    %sign3A_88 = arith.subi %sign3A_84, %sign3A_87 : i32
    %sign3A_89 = arith.constant 0 : i32
    %sign3A_90 = arith.cmpi sgt, %jit3A_80, %sign3A_89 : i32
    %sign3A_91 = arith.extui %sign3A_90 : i1 to i32
    %sign3A_92 = arith.constant 0 : i32
    %sign3A_93 = arith.cmpi slt, %jit3A_80, %sign3A_92 : i32
    %sign3A_94 = arith.extui %sign3A_93 : i1 to i32
    %sign3A_95 = arith.subi %sign3A_91, %sign3A_94 : i32
    %ne3A_96 = arith.cmpi ne, %sign3A_88, %sign3A_95 : i32
    %rem3A_97 = arith.remsi %add3A_79, %jit3A_80 : i32
    %ne3A_98 = arith.constant 0 : i32
    %ne3A_99 = arith.cmpi ne, %rem3A_97, %ne3A_98 : i32
    %and3A_100 = arith.andi %ne3A_96, %ne3A_99 : i1
    %sub3A_101 = arith.constant 1 : i32
    %sub3A_102 = arith.subi %div3A_81, %sub3A_101 : i32
    %select_n3A_103 = arith.select %and3A_100, %sub3A_102, %div3A_81 : i32
    %mul3A_104 = arith.constant 2 : i32
    %mul3A_105 = arith.muli %mul3A_104, %select_n3A_103 : i32
    %sub3A_106 = arith.constant 64 : i32
    %sub3A_107 = arith.subi %sub3A_106, %mul3A_105 : i32
    %gt3A = arith.constant 0 : i32
    %gt3A_108 = arith.cmpi sgt, %select_n3A_103, %gt3A : i32
    %convert_element_type3A = arith.extui %gt3A_108 : i1 to i32
    %cond3A = arith.constant 0 : i32
    %cond3A_109 = arith.cmpi ne, %convert_element_type3A, %cond3A : i32
    scf.if %cond3A_109 {
      %add3A_153 = arith.constant 0 : i32
      %add3A_154 = arith.addi %mul3A_33, %add3A_153 : i32
      %add3A_155 = arith.constant 0 : i32
      %add3A_156 = arith.addi %add3A_154, %add3A_155 : i32
      %iota3A = tpu.iota {dimensions = array<i32: 0>} : vector<16xi32>
      %add3A_157 = vector.broadcast %add3A_156 : i32 to vector<16xi32>
      %add3A_158 = arith.addi %add3A_157, %iota3A : vector<16xi32>
      %convert_element_type3A_159 = arith.sitofp %add3A_158 : vector<16xi32> to vector<16xf32>
      %mul3A_160 = arith.mulf %get3A_38, %convert_element_type3A_159 : vector<16xf32>
      %convert_element_type3A_161 = arith.fptosi %mul3A_160 : vector<16xf32> to vector<16xi32>
      %convert_element_type3A_162 = arith.sitofp %convert_element_type3A_161 : vector<16xi32> to vector<16xf32>
      %sub3A_163 = arith.subf %mul3A_160, %convert_element_type3A_162 : vector<16xf32>
      %and3A_164 = arith.constant 1 : i32
      %and3A_165 = vector.broadcast %and3A_164 : i32 to vector<16xi32>
      %and3A_166 = arith.andi %convert_element_type3A_161, %and3A_165 : vector<16xi32>
      %eq3A_167 = arith.constant 1 : i32
      %eq3A_168 = vector.broadcast %eq3A_167 : i32 to vector<16xi32>
      %eq3A_169 = arith.cmpi eq, %and3A_166, %eq3A_168 : vector<16xi32>
      %gt3A_170 = arith.constant 5.000000e-01 : f32
      %gt3A_171 = vector.broadcast %gt3A_170 : f32 to vector<16xf32>
      %gt3A_172 = arith.cmpf ogt, %sub3A_163, %gt3A_171 : vector<16xf32>
      %eq3A_173 = arith.constant 5.000000e-01 : f32
      %eq3A_174 = vector.broadcast %eq3A_173 : f32 to vector<16xf32>
      %eq3A_175 = arith.cmpf oeq, %sub3A_163, %eq3A_174 : vector<16xf32>
      %and3A_176 = arith.andi %eq3A_175, %eq3A_169 : vector<16xi1>
      %or3A = arith.ori %gt3A_172, %and3A_176 : vector<16xi1>
      %jit3A_177 = arith.constant 1 : i32
      %jit3A_178 = arith.constant 0 : i32
      %broadcast_in_dim3A_179 = vector.broadcast %jit3A_177 : i32 to vector<16xi32>
      %broadcast_in_dim3A_180 = vector.broadcast %jit3A_178 : i32 to vector<16xi32>
      %select_n3A_181 = arith.select %or3A, %broadcast_in_dim3A_179, %broadcast_in_dim3A_180 : vector<16xi1>, vector<16xi32>
      %add3A_182 = arith.addi %convert_element_type3A_161, %select_n3A_181 : vector<16xi32>
      %max3A_183 = arith.constant 0 : i32
      %max3A_184 = vector.broadcast %max3A_183 : i32 to vector<16xi32>
      %max3A_185 = arith.maxsi %add3A_182, %max3A_184 : vector<16xi32>
      %min3A_186 = arith.constant 4095 : i32
      %min3A_187 = vector.broadcast %min3A_186 : i32 to vector<16xi32>
      %min3A_188 = arith.minsi %max3A_185, %min3A_187 : vector<16xi32>
      %lt3A_189 = arith.cmpi slt, %add3A_158, %get3A_41 : vector<16xi32>
      %jit3A_190 = arith.constant 1 : i32
      %broadcast_in_dim3A_191 = vector.broadcast %jit3A_190 : i32 to vector<16xi32>
      %select_n3A_192 = arith.select %lt3A_189, %min3A_188, %broadcast_in_dim3A_191 : vector<16xi1>, vector<16xi32>
      %add3A_193 = arith.addi %broadcast_in_dim3A, %select_n3A_192 : vector<16xi32>
      %swap3A = arith.constant 0 : index
      %swap3A_194 = tpu.vector_load %arg9[%swap3A] {strides = array<i32>} : memref<32xi32, #tpu.memory_space<vmem>>, vector<16xi32>,
      %swap3A_195 = vector.shape_cast %swap3A_194 : vector<16xi32> to vector<16xi32>
      %swap3A_196 = vector.shape_cast %add3A_193 : vector<16xi32> to vector<16xi32>
      tpu.vector_store %arg9[%swap3A], %swap3A_196 {strides = array<i32>} : memref<32xi32, #tpu.memory_space<vmem>>, vector<16xi32>,
      %add3A_197 = arith.constant 0 : i32
      %add3A_198 = arith.addi %mul3A_33, %add3A_197 : i32
      %add3A_199 = arith.constant 16 : i32
      %add3A_200 = arith.addi %add3A_198, %add3A_199 : i32
      %iota3A_201 = tpu.iota {dimensions = array<i32: 0>} : vector<16xi32>
      %add3A_202 = vector.broadcast %add3A_200 : i32 to vector<16xi32>
      %add3A_203 = arith.addi %add3A_202, %iota3A_201 : vector<16xi32>
      %convert_element_type3A_204 = arith.sitofp %add3A_203 : vector<16xi32> to vector<16xf32>
      %mul3A_205 = arith.mulf %get3A_38, %convert_element_type3A_204 : vector<16xf32>
      %convert_element_type3A_206 = arith.fptosi %mul3A_205 : vector<16xf32> to vector<16xi32>
      %convert_element_type3A_207 = arith.sitofp %convert_element_type3A_206 : vector<16xi32> to vector<16xf32>
      %sub3A_208 = arith.subf %mul3A_205, %convert_element_type3A_207 : vector<16xf32>
      %and3A_209 = arith.constant 1 : i32
      %and3A_210 = vector.broadcast %and3A_209 : i32 to vector<16xi32>
      %and3A_211 = arith.andi %convert_element_type3A_206, %and3A_210 : vector<16xi32>
      %eq3A_212 = arith.constant 1 : i32
      %eq3A_213 = vector.broadcast %eq3A_212 : i32 to vector<16xi32>
      %eq3A_214 = arith.cmpi eq, %and3A_211, %eq3A_213 : vector<16xi32>
      %gt3A_215 = arith.constant 5.000000e-01 : f32
      %gt3A_216 = vector.broadcast %gt3A_215 : f32 to vector<16xf32>
      %gt3A_217 = arith.cmpf ogt, %sub3A_208, %gt3A_216 : vector<16xf32>
      %eq3A_218 = arith.constant 5.000000e-01 : f32
      %eq3A_219 = vector.broadcast %eq3A_218 : f32 to vector<16xf32>
      %eq3A_220 = arith.cmpf oeq, %sub3A_208, %eq3A_219 : vector<16xf32>
      %and3A_221 = arith.andi %eq3A_220, %eq3A_214 : vector<16xi1>
      %or3A_222 = arith.ori %gt3A_217, %and3A_221 : vector<16xi1>
      %jit3A_223 = arith.constant 1 : i32
      %jit3A_224 = arith.constant 0 : i32
      %broadcast_in_dim3A_225 = vector.broadcast %jit3A_223 : i32 to vector<16xi32>
      %broadcast_in_dim3A_226 = vector.broadcast %jit3A_224 : i32 to vector<16xi32>
      %select_n3A_227 = arith.select %or3A_222, %broadcast_in_dim3A_225, %broadcast_in_dim3A_226 : vector<16xi1>, vector<16xi32>
      %add3A_228 = arith.addi %convert_element_type3A_206, %select_n3A_227 : vector<16xi32>
      %max3A_229 = arith.constant 0 : i32
      %max3A_230 = vector.broadcast %max3A_229 : i32 to vector<16xi32>
      %max3A_231 = arith.maxsi %add3A_228, %max3A_230 : vector<16xi32>
      %min3A_232 = arith.constant 4095 : i32
      %min3A_233 = vector.broadcast %min3A_232 : i32 to vector<16xi32>
      %min3A_234 = arith.minsi %max3A_231, %min3A_233 : vector<16xi32>
      %lt3A_235 = arith.cmpi slt, %add3A_203, %get3A_41 : vector<16xi32>
      %jit3A_236 = arith.constant 1 : i32
      %broadcast_in_dim3A_237 = vector.broadcast %jit3A_236 : i32 to vector<16xi32>
      %select_n3A_238 = arith.select %lt3A_235, %min3A_234, %broadcast_in_dim3A_237 : vector<16xi1>, vector<16xi32>
      %add3A_239 = arith.addi %broadcast_in_dim3A, %select_n3A_238 : vector<16xi32>
      %swap3A_240 = arith.constant 16 : index
      %swap3A_241 = tpu.vector_load %arg9[%swap3A_240] {strides = array<i32>} : memref<32xi32, #tpu.memory_space<vmem>>, vector<16xi32>,
      %swap3A_242 = vector.shape_cast %swap3A_241 : vector<16xi32> to vector<16xi32>
      %swap3A_243 = vector.shape_cast %add3A_239 : vector<16xi32> to vector<16xi32>
      tpu.vector_store %arg9[%swap3A_240], %swap3A_243 {strides = array<i32>} : memref<32xi32, #tpu.memory_space<vmem>>, vector<16xi32>,
      %dma_start3A = arith.constant 0 : i32
      %dma_start3A_244 = arith.constant 0 : i32
      %dma_start3A_245 = tpu.memref_slice %arg2[%dma_start3A, %dma_start3A_244] : memref<65536x1024xf32, #tpu.memory_space<hbm>> -> memref<65536x1024xf32, #tpu.memory_space<hbm>>
      tpu.enqueue_indirect_dma source(%dma_start3A_245 : memref<65536x1024xf32, #tpu.memory_space<hbm>>) target(%arg11 : memref<32x1024xf32, #tpu.memory_space<vmem>>) offsets(%arg9 : memref<32xi32, #tpu.memory_space<vmem>>) semaphore(%arg14 : memref<!tpu.dma_semaphore, #tpu.memory_space<semaphore_mem>>)
    } else {
    }
    %sub3A_110 = arith.constant 1 : i32
    %sub3A_111 = arith.subi %select_n3A_103, %sub3A_110 : i32
    %while3A = arith.constant 0 : i32
    %while3A_112 = arith.constant 0 : i32
    %while3A_113 = arith.subi %sub3A_111, %while3A_112 : i32
    %while3A_114 = arith.addi %while3A_112, %while3A_113 : i32
    %while3A_115 = arith.constant 1 : i32
    %while3A_116 = arith.divsi %while3A_113, %while3A_115 : i32
    %while3A_117 = arith.muli %while3A_116, %while3A_115 : i32
    %while3A_118 = arith.addi %while3A_112, %while3A_117 : i32
    %while3A_119 = arith.constant 1 : i32
    scf.for %while3A_153 = %while3A_112 to %while3A_118 step %while3A_119  : i32 {
      %mul3A_154 = arith.constant 2 : i32
      %mul3A_155 = arith.muli %mul3A_154, %while3A_153 : i32
      %add3A_156 = arith.constant 1 : i32
      %add3A_157 = arith.addi %mul3A_155, %add3A_156 : i32
      %mul3A_158 = arith.constant 32 : i32
      %mul3A_159 = arith.muli %add3A_157, %mul3A_158 : i32
      %add3A_160 = arith.addi %mul3A_33, %mul3A_159 : i32
      %add3A_161 = arith.constant 0 : i32
      %add3A_162 = arith.addi %add3A_160, %add3A_161 : i32
      %iota3A = tpu.iota {dimensions = array<i32: 0>} : vector<16xi32>
      %add3A_163 = vector.broadcast %add3A_162 : i32 to vector<16xi32>
      %add3A_164 = arith.addi %add3A_163, %iota3A : vector<16xi32>
      %convert_element_type3A_165 = arith.sitofp %add3A_164 : vector<16xi32> to vector<16xf32>
      %mul3A_166 = arith.mulf %get3A_38, %convert_element_type3A_165 : vector<16xf32>
      %convert_element_type3A_167 = arith.fptosi %mul3A_166 : vector<16xf32> to vector<16xi32>
      %convert_element_type3A_168 = arith.sitofp %convert_element_type3A_167 : vector<16xi32> to vector<16xf32>
      %sub3A_169 = arith.subf %mul3A_166, %convert_element_type3A_168 : vector<16xf32>
      %and3A_170 = arith.constant 1 : i32
      %and3A_171 = vector.broadcast %and3A_170 : i32 to vector<16xi32>
      %and3A_172 = arith.andi %convert_element_type3A_167, %and3A_171 : vector<16xi32>
      %eq3A_173 = arith.constant 1 : i32
      %eq3A_174 = vector.broadcast %eq3A_173 : i32 to vector<16xi32>
      %eq3A_175 = arith.cmpi eq, %and3A_172, %eq3A_174 : vector<16xi32>
      %gt3A_176 = arith.constant 5.000000e-01 : f32
      %gt3A_177 = vector.broadcast %gt3A_176 : f32 to vector<16xf32>
      %gt3A_178 = arith.cmpf ogt, %sub3A_169, %gt3A_177 : vector<16xf32>
      %eq3A_179 = arith.constant 5.000000e-01 : f32
      %eq3A_180 = vector.broadcast %eq3A_179 : f32 to vector<16xf32>
      %eq3A_181 = arith.cmpf oeq, %sub3A_169, %eq3A_180 : vector<16xf32>
      %and3A_182 = arith.andi %eq3A_181, %eq3A_175 : vector<16xi1>
      %or3A = arith.ori %gt3A_178, %and3A_182 : vector<16xi1>
      %jit3A_183 = arith.constant 1 : i32
      %jit3A_184 = arith.constant 0 : i32
      %broadcast_in_dim3A_185 = vector.broadcast %jit3A_183 : i32 to vector<16xi32>
      %broadcast_in_dim3A_186 = vector.broadcast %jit3A_184 : i32 to vector<16xi32>
      %select_n3A_187 = arith.select %or3A, %broadcast_in_dim3A_185, %broadcast_in_dim3A_186 : vector<16xi1>, vector<16xi32>
      %add3A_188 = arith.addi %convert_element_type3A_167, %select_n3A_187 : vector<16xi32>
      %max3A_189 = arith.constant 0 : i32
      %max3A_190 = vector.broadcast %max3A_189 : i32 to vector<16xi32>
      %max3A_191 = arith.maxsi %add3A_188, %max3A_190 : vector<16xi32>
      %min3A_192 = arith.constant 4095 : i32
      %min3A_193 = vector.broadcast %min3A_192 : i32 to vector<16xi32>
      %min3A_194 = arith.minsi %max3A_191, %min3A_193 : vector<16xi32>
      %lt3A_195 = arith.cmpi slt, %add3A_164, %get3A_41 : vector<16xi32>
      %jit3A_196 = arith.constant 1 : i32
      %broadcast_in_dim3A_197 = vector.broadcast %jit3A_196 : i32 to vector<16xi32>
      %select_n3A_198 = arith.select %lt3A_195, %min3A_194, %broadcast_in_dim3A_197 : vector<16xi1>, vector<16xi32>
      %add3A_199 = arith.addi %broadcast_in_dim3A, %select_n3A_198 : vector<16xi32>
      %swap3A = arith.constant 0 : index
      %swap3A_200 = tpu.vector_load %arg10[%swap3A] {strides = array<i32>} : memref<32xi32, #tpu.memory_space<vmem>>, vector<16xi32>,
      %swap3A_201 = vector.shape_cast %swap3A_200 : vector<16xi32> to vector<16xi32>
      %swap3A_202 = vector.shape_cast %add3A_199 : vector<16xi32> to vector<16xi32>
      tpu.vector_store %arg10[%swap3A], %swap3A_202 {strides = array<i32>} : memref<32xi32, #tpu.memory_space<vmem>>, vector<16xi32>,
      %mul3A_203 = arith.constant 32 : i32
      %mul3A_204 = arith.muli %add3A_157, %mul3A_203 : i32
      %add3A_205 = arith.addi %mul3A_33, %mul3A_204 : i32
      %add3A_206 = arith.constant 16 : i32
      %add3A_207 = arith.addi %add3A_205, %add3A_206 : i32
      %iota3A_208 = tpu.iota {dimensions = array<i32: 0>} : vector<16xi32>
      %add3A_209 = vector.broadcast %add3A_207 : i32 to vector<16xi32>
      %add3A_210 = arith.addi %add3A_209, %iota3A_208 : vector<16xi32>
      %convert_element_type3A_211 = arith.sitofp %add3A_210 : vector<16xi32> to vector<16xf32>
      %mul3A_212 = arith.mulf %get3A_38, %convert_element_type3A_211 : vector<16xf32>
      %convert_element_type3A_213 = arith.fptosi %mul3A_212 : vector<16xf32> to vector<16xi32>
      %convert_element_type3A_214 = arith.sitofp %convert_element_type3A_213 : vector<16xi32> to vector<16xf32>
      %sub3A_215 = arith.subf %mul3A_212, %convert_element_type3A_214 : vector<16xf32>
      %and3A_216 = arith.constant 1 : i32
      %and3A_217 = vector.broadcast %and3A_216 : i32 to vector<16xi32>
      %and3A_218 = arith.andi %convert_element_type3A_213, %and3A_217 : vector<16xi32>
      %eq3A_219 = arith.constant 1 : i32
      %eq3A_220 = vector.broadcast %eq3A_219 : i32 to vector<16xi32>
      %eq3A_221 = arith.cmpi eq, %and3A_218, %eq3A_220 : vector<16xi32>
      %gt3A_222 = arith.constant 5.000000e-01 : f32
      %gt3A_223 = vector.broadcast %gt3A_222 : f32 to vector<16xf32>
      %gt3A_224 = arith.cmpf ogt, %sub3A_215, %gt3A_223 : vector<16xf32>
      %eq3A_225 = arith.constant 5.000000e-01 : f32
      %eq3A_226 = vector.broadcast %eq3A_225 : f32 to vector<16xf32>
      %eq3A_227 = arith.cmpf oeq, %sub3A_215, %eq3A_226 : vector<16xf32>
      %and3A_228 = arith.andi %eq3A_227, %eq3A_221 : vector<16xi1>
      %or3A_229 = arith.ori %gt3A_224, %and3A_228 : vector<16xi1>
      %jit3A_230 = arith.constant 1 : i32
      %jit3A_231 = arith.constant 0 : i32
      %broadcast_in_dim3A_232 = vector.broadcast %jit3A_230 : i32 to vector<16xi32>
      %broadcast_in_dim3A_233 = vector.broadcast %jit3A_231 : i32 to vector<16xi32>
      %select_n3A_234 = arith.select %or3A_229, %broadcast_in_dim3A_232, %broadcast_in_dim3A_233 : vector<16xi1>, vector<16xi32>
      %add3A_235 = arith.addi %convert_element_type3A_213, %select_n3A_234 : vector<16xi32>
      %max3A_236 = arith.constant 0 : i32
      %max3A_237 = vector.broadcast %max3A_236 : i32 to vector<16xi32>
      %max3A_238 = arith.maxsi %add3A_235, %max3A_237 : vector<16xi32>
      %min3A_239 = arith.constant 4095 : i32
      %min3A_240 = vector.broadcast %min3A_239 : i32 to vector<16xi32>
      %min3A_241 = arith.minsi %max3A_238, %min3A_240 : vector<16xi32>
      %lt3A_242 = arith.cmpi slt, %add3A_210, %get3A_41 : vector<16xi32>
      %jit3A_243 = arith.constant 1 : i32
      %broadcast_in_dim3A_244 = vector.broadcast %jit3A_243 : i32 to vector<16xi32>
      %select_n3A_245 = arith.select %lt3A_242, %min3A_241, %broadcast_in_dim3A_244 : vector<16xi1>, vector<16xi32>
      %add3A_246 = arith.addi %broadcast_in_dim3A, %select_n3A_245 : vector<16xi32>
      %swap3A_247 = arith.constant 16 : index
      %swap3A_248 = tpu.vector_load %arg10[%swap3A_247] {strides = array<i32>} : memref<32xi32, #tpu.memory_space<vmem>>, vector<16xi32>,
      %swap3A_249 = vector.shape_cast %swap3A_248 : vector<16xi32> to vector<16xi32>
      %swap3A_250 = vector.shape_cast %add3A_246 : vector<16xi32> to vector<16xi32>
      tpu.vector_store %arg10[%swap3A_247], %swap3A_250 {strides = array<i32>} : memref<32xi32, #tpu.memory_space<vmem>>, vector<16xi32>,
      %dma_start3A = arith.constant 0 : i32
      %dma_start3A_251 = arith.constant 0 : i32
      %dma_start3A_252 = tpu.memref_slice %arg2[%dma_start3A, %dma_start3A_251] : memref<65536x1024xf32, #tpu.memory_space<hbm>> -> memref<65536x1024xf32, #tpu.memory_space<hbm>>
      tpu.enqueue_indirect_dma source(%dma_start3A_252 : memref<65536x1024xf32, #tpu.memory_space<hbm>>) target(%arg12 : memref<32x1024xf32, #tpu.memory_space<vmem>>) offsets(%arg10 : memref<32xi32, #tpu.memory_space<vmem>>) semaphore(%arg15 : memref<!tpu.dma_semaphore, #tpu.memory_space<semaphore_mem>>)
      %dma_wait3A = arith.constant 0 : i32
      %dma_wait3A_253 = arith.constant 0 : i32
      %dma_wait3A_254 = tpu.memref_slice %arg2[%dma_wait3A, %dma_wait3A_253] : memref<65536x1024xf32, #tpu.memory_space<hbm>> -> memref<65536x1024xf32, #tpu.memory_space<hbm>>
      tpu.wait_indirect_dma semaphore(%arg14 : memref<!tpu.dma_semaphore, #tpu.memory_space<semaphore_mem>>) src(%dma_wait3A_254 : memref<65536x1024xf32, #tpu.memory_space<hbm>>) dst(%arg11 : memref<32x1024xf32, #tpu.memory_space<vmem>>)
      %mul3A_255 = arith.constant 32 : i32
      %mul3A_256 = arith.muli %mul3A_155, %mul3A_255 : i32
      %add3A_257 = arith.addi %add3A_36, %mul3A_256 : i32
      "tpu.region"() ({
        %run_scoped3A = tpu.sem_alloc : memref<!tpu.dma_semaphore, #tpu.memory_space<semaphore_mem>>
        %dma_start3A_367 = arith.constant 0 : i32
        %dma_start3A_368 = tpu.memref_slice %arg5[%add3A_257, %dma_start3A_367] : memref<65536x1024xf32, #tpu.memory_space<hbm>> -> memref<32x1024xf32, #tpu.memory_space<hbm>>
        %dma_start3A_369 = arith.constant 0 : i32
        %dma_start3A_370 = tpu.memref_slice %arg5[%add3A_257, %dma_start3A_369] : memref<65536x1024xf32, #tpu.memory_space<hbm>> -> memref<32x1024xf32, #tpu.memory_space<hbm>>
        tpu.enqueue_dma source(%arg11 : memref<32x1024xf32, #tpu.memory_space<vmem>>) target(%dma_start3A_370 : memref<32x1024xf32, #tpu.memory_space<hbm>>) target_semaphore(%run_scoped3A : memref<!tpu.dma_semaphore, #tpu.memory_space<semaphore_mem>>)
        %dma_wait3A_371 = arith.constant 0 : i32
        %dma_wait3A_372 = tpu.memref_slice %arg5[%add3A_257, %dma_wait3A_371] : memref<65536x1024xf32, #tpu.memory_space<hbm>> -> memref<32x1024xf32, #tpu.memory_space<hbm>>
        %dma_wait3A_373 = arith.constant 0 : i32
        %dma_wait3A_374 = tpu.memref_slice %arg5[%add3A_257, %dma_wait3A_373] : memref<65536x1024xf32, #tpu.memory_space<hbm>> -> memref<32x1024xf32, #tpu.memory_space<hbm>>
        tpu.wait_dma2 semaphore(%run_scoped3A : memref<!tpu.dma_semaphore, #tpu.memory_space<semaphore_mem>>) src(%arg11 : memref<32x1024xf32, #tpu.memory_space<vmem>>) dst(%dma_wait3A_374 : memref<32x1024xf32, #tpu.memory_space<hbm>>)
        tpu.yield
      }) : () -> ()
      %add3A_258 = arith.constant 2 : i32
      %add3A_259 = arith.addi %mul3A_155, %add3A_258 : i32
      %mul3A_260 = arith.constant 32 : i32
      %mul3A_261 = arith.muli %add3A_259, %mul3A_260 : i32
      %add3A_262 = arith.addi %mul3A_33, %mul3A_261 : i32
      %add3A_263 = arith.constant 0 : i32
      %add3A_264 = arith.addi %add3A_262, %add3A_263 : i32
      %iota3A_265 = tpu.iota {dimensions = array<i32: 0>} : vector<16xi32>
      %add3A_266 = vector.broadcast %add3A_264 : i32 to vector<16xi32>
      %add3A_267 = arith.addi %add3A_266, %iota3A_265 : vector<16xi32>
      %convert_element_type3A_268 = arith.sitofp %add3A_267 : vector<16xi32> to vector<16xf32>
      %mul3A_269 = arith.mulf %get3A_38, %convert_element_type3A_268 : vector<16xf32>
      %convert_element_type3A_270 = arith.fptosi %mul3A_269 : vector<16xf32> to vector<16xi32>
      %convert_element_type3A_271 = arith.sitofp %convert_element_type3A_270 : vector<16xi32> to vector<16xf32>
      %sub3A_272 = arith.subf %mul3A_269, %convert_element_type3A_271 : vector<16xf32>
      %and3A_273 = arith.constant 1 : i32
      %and3A_274 = vector.broadcast %and3A_273 : i32 to vector<16xi32>
      %and3A_275 = arith.andi %convert_element_type3A_270, %and3A_274 : vector<16xi32>
      %eq3A_276 = arith.constant 1 : i32
      %eq3A_277 = vector.broadcast %eq3A_276 : i32 to vector<16xi32>
      %eq3A_278 = arith.cmpi eq, %and3A_275, %eq3A_277 : vector<16xi32>
      %gt3A_279 = arith.constant 5.000000e-01 : f32
      %gt3A_280 = vector.broadcast %gt3A_279 : f32 to vector<16xf32>
      %gt3A_281 = arith.cmpf ogt, %sub3A_272, %gt3A_280 : vector<16xf32>
      %eq3A_282 = arith.constant 5.000000e-01 : f32
      %eq3A_283 = vector.broadcast %eq3A_282 : f32 to vector<16xf32>
      %eq3A_284 = arith.cmpf oeq, %sub3A_272, %eq3A_283 : vector<16xf32>
      %and3A_285 = arith.andi %eq3A_284, %eq3A_278 : vector<16xi1>
      %or3A_286 = arith.ori %gt3A_281, %and3A_285 : vector<16xi1>
      %jit3A_287 = arith.constant 1 : i32
      %jit3A_288 = arith.constant 0 : i32
      %broadcast_in_dim3A_289 = vector.broadcast %jit3A_287 : i32 to vector<16xi32>
      %broadcast_in_dim3A_290 = vector.broadcast %jit3A_288 : i32 to vector<16xi32>
      %select_n3A_291 = arith.select %or3A_286, %broadcast_in_dim3A_289, %broadcast_in_dim3A_290 : vector<16xi1>, vector<16xi32>
      %add3A_292 = arith.addi %convert_element_type3A_270, %select_n3A_291 : vector<16xi32>
      %max3A_293 = arith.constant 0 : i32
      %max3A_294 = vector.broadcast %max3A_293 : i32 to vector<16xi32>
      %max3A_295 = arith.maxsi %add3A_292, %max3A_294 : vector<16xi32>
      %min3A_296 = arith.constant 4095 : i32
      %min3A_297 = vector.broadcast %min3A_296 : i32 to vector<16xi32>
      %min3A_298 = arith.minsi %max3A_295, %min3A_297 : vector<16xi32>
      %lt3A_299 = arith.cmpi slt, %add3A_267, %get3A_41 : vector<16xi32>
      %jit3A_300 = arith.constant 1 : i32
      %broadcast_in_dim3A_301 = vector.broadcast %jit3A_300 : i32 to vector<16xi32>
      %select_n3A_302 = arith.select %lt3A_299, %min3A_298, %broadcast_in_dim3A_301 : vector<16xi1>, vector<16xi32>
      %add3A_303 = arith.addi %broadcast_in_dim3A, %select_n3A_302 : vector<16xi32>
      %swap3A_304 = arith.constant 0 : index
      %swap3A_305 = tpu.vector_load %arg9[%swap3A_304] {strides = array<i32>} : memref<32xi32, #tpu.memory_space<vmem>>, vector<16xi32>,
      %swap3A_306 = vector.shape_cast %swap3A_305 : vector<16xi32> to vector<16xi32>
      %swap3A_307 = vector.shape_cast %add3A_303 : vector<16xi32> to vector<16xi32>
      tpu.vector_store %arg9[%swap3A_304], %swap3A_307 {strides = array<i32>} : memref<32xi32, #tpu.memory_space<vmem>>, vector<16xi32>,
      %mul3A_308 = arith.constant 32 : i32
      %mul3A_309 = arith.muli %add3A_259, %mul3A_308 : i32
      %add3A_310 = arith.addi %mul3A_33, %mul3A_309 : i32
      %add3A_311 = arith.constant 16 : i32
      %add3A_312 = arith.addi %add3A_310, %add3A_311 : i32
      %iota3A_313 = tpu.iota {dimensions = array<i32: 0>} : vector<16xi32>
      %add3A_314 = vector.broadcast %add3A_312 : i32 to vector<16xi32>
      %add3A_315 = arith.addi %add3A_314, %iota3A_313 : vector<16xi32>
      %convert_element_type3A_316 = arith.sitofp %add3A_315 : vector<16xi32> to vector<16xf32>
      %mul3A_317 = arith.mulf %get3A_38, %convert_element_type3A_316 : vector<16xf32>
      %convert_element_type3A_318 = arith.fptosi %mul3A_317 : vector<16xf32> to vector<16xi32>
      %convert_element_type3A_319 = arith.sitofp %convert_element_type3A_318 : vector<16xi32> to vector<16xf32>
      %sub3A_320 = arith.subf %mul3A_317, %convert_element_type3A_319 : vector<16xf32>
      %and3A_321 = arith.constant 1 : i32
      %and3A_322 = vector.broadcast %and3A_321 : i32 to vector<16xi32>
      %and3A_323 = arith.andi %convert_element_type3A_318, %and3A_322 : vector<16xi32>
      %eq3A_324 = arith.constant 1 : i32
      %eq3A_325 = vector.broadcast %eq3A_324 : i32 to vector<16xi32>
      %eq3A_326 = arith.cmpi eq, %and3A_323, %eq3A_325 : vector<16xi32>
      %gt3A_327 = arith.constant 5.000000e-01 : f32
      %gt3A_328 = vector.broadcast %gt3A_327 : f32 to vector<16xf32>
      %gt3A_329 = arith.cmpf ogt, %sub3A_320, %gt3A_328 : vector<16xf32>
      %eq3A_330 = arith.constant 5.000000e-01 : f32
      %eq3A_331 = vector.broadcast %eq3A_330 : f32 to vector<16xf32>
      %eq3A_332 = arith.cmpf oeq, %sub3A_320, %eq3A_331 : vector<16xf32>
      %and3A_333 = arith.andi %eq3A_332, %eq3A_326 : vector<16xi1>
      %or3A_334 = arith.ori %gt3A_329, %and3A_333 : vector<16xi1>
      %jit3A_335 = arith.constant 1 : i32
      %jit3A_336 = arith.constant 0 : i32
      %broadcast_in_dim3A_337 = vector.broadcast %jit3A_335 : i32 to vector<16xi32>
      %broadcast_in_dim3A_338 = vector.broadcast %jit3A_336 : i32 to vector<16xi32>
      %select_n3A_339 = arith.select %or3A_334, %broadcast_in_dim3A_337, %broadcast_in_dim3A_338 : vector<16xi1>, vector<16xi32>
      %add3A_340 = arith.addi %convert_element_type3A_318, %select_n3A_339 : vector<16xi32>
      %max3A_341 = arith.constant 0 : i32
      %max3A_342 = vector.broadcast %max3A_341 : i32 to vector<16xi32>
      %max3A_343 = arith.maxsi %add3A_340, %max3A_342 : vector<16xi32>
      %min3A_344 = arith.constant 4095 : i32
      %min3A_345 = vector.broadcast %min3A_344 : i32 to vector<16xi32>
      %min3A_346 = arith.minsi %max3A_343, %min3A_345 : vector<16xi32>
      %lt3A_347 = arith.cmpi slt, %add3A_315, %get3A_41 : vector<16xi32>
      %jit3A_348 = arith.constant 1 : i32
      %broadcast_in_dim3A_349 = vector.broadcast %jit3A_348 : i32 to vector<16xi32>
      %select_n3A_350 = arith.select %lt3A_347, %min3A_346, %broadcast_in_dim3A_349 : vector<16xi1>, vector<16xi32>
      %add3A_351 = arith.addi %broadcast_in_dim3A, %select_n3A_350 : vector<16xi32>
      %swap3A_352 = arith.constant 16 : index
      %swap3A_353 = tpu.vector_load %arg9[%swap3A_352] {strides = array<i32>} : memref<32xi32, #tpu.memory_space<vmem>>, vector<16xi32>,
      %swap3A_354 = vector.shape_cast %swap3A_353 : vector<16xi32> to vector<16xi32>
      %swap3A_355 = vector.shape_cast %add3A_351 : vector<16xi32> to vector<16xi32>
      tpu.vector_store %arg9[%swap3A_352], %swap3A_355 {strides = array<i32>} : memref<32xi32, #tpu.memory_space<vmem>>, vector<16xi32>,
      %dma_start3A_356 = arith.constant 0 : i32
      %dma_start3A_357 = arith.constant 0 : i32
      %dma_start3A_358 = tpu.memref_slice %arg2[%dma_start3A_356, %dma_start3A_357] : memref<65536x1024xf32, #tpu.memory_space<hbm>> -> memref<65536x1024xf32, #tpu.memory_space<hbm>>
      tpu.enqueue_indirect_dma source(%dma_start3A_358 : memref<65536x1024xf32, #tpu.memory_space<hbm>>) target(%arg11 : memref<32x1024xf32, #tpu.memory_space<vmem>>) offsets(%arg9 : memref<32xi32, #tpu.memory_space<vmem>>) semaphore(%arg14 : memref<!tpu.dma_semaphore, #tpu.memory_space<semaphore_mem>>)
      %dma_wait3A_359 = arith.constant 0 : i32
      %dma_wait3A_360 = arith.constant 0 : i32
      %dma_wait3A_361 = tpu.memref_slice %arg2[%dma_wait3A_359, %dma_wait3A_360] : memref<65536x1024xf32, #tpu.memory_space<hbm>> -> memref<65536x1024xf32, #tpu.memory_space<hbm>>
      tpu.wait_indirect_dma semaphore(%arg15 : memref<!tpu.dma_semaphore, #tpu.memory_space<semaphore_mem>>) src(%dma_wait3A_361 : memref<65536x1024xf32, #tpu.memory_space<hbm>>) dst(%arg12 : memref<32x1024xf32, #tpu.memory_space<vmem>>)
      %add3A_362 = arith.constant 1 : i32
      %add3A_363 = arith.addi %mul3A_155, %add3A_362 : i32
      %mul3A_364 = arith.constant 32 : i32
      %mul3A_365 = arith.muli %add3A_363, %mul3A_364 : i32
      %add3A_366 = arith.addi %add3A_36, %mul3A_365 : i32
      "tpu.region"() ({
        %run_scoped3A = tpu.sem_alloc : memref<!tpu.dma_semaphore, #tpu.memory_space<semaphore_mem>>
        %dma_start3A_367 = arith.constant 0 : i32
        %dma_start3A_368 = tpu.memref_slice %arg5[%add3A_366, %dma_start3A_367] : memref<65536x1024xf32, #tpu.memory_space<hbm>> -> memref<32x1024xf32, #tpu.memory_space<hbm>>
        %dma_start3A_369 = arith.constant 0 : i32
        %dma_start3A_370 = tpu.memref_slice %arg5[%add3A_366, %dma_start3A_369] : memref<65536x1024xf32, #tpu.memory_space<hbm>> -> memref<32x1024xf32, #tpu.memory_space<hbm>>
        tpu.enqueue_dma source(%arg12 : memref<32x1024xf32, #tpu.memory_space<vmem>>) target(%dma_start3A_370 : memref<32x1024xf32, #tpu.memory_space<hbm>>) target_semaphore(%run_scoped3A : memref<!tpu.dma_semaphore, #tpu.memory_space<semaphore_mem>>)
        %dma_wait3A_371 = arith.constant 0 : i32
        %dma_wait3A_372 = tpu.memref_slice %arg5[%add3A_366, %dma_wait3A_371] : memref<65536x1024xf32, #tpu.memory_space<hbm>> -> memref<32x1024xf32, #tpu.memory_space<hbm>>
        %dma_wait3A_373 = arith.constant 0 : i32
        %dma_wait3A_374 = tpu.memref_slice %arg5[%add3A_366, %dma_wait3A_373] : memref<65536x1024xf32, #tpu.memory_space<hbm>> -> memref<32x1024xf32, #tpu.memory_space<hbm>>
        tpu.wait_dma2 semaphore(%run_scoped3A : memref<!tpu.dma_semaphore, #tpu.memory_space<semaphore_mem>>) src(%arg12 : memref<32x1024xf32, #tpu.memory_space<vmem>>) dst(%dma_wait3A_374 : memref<32x1024xf32, #tpu.memory_space<hbm>>)
        tpu.yield
      }) : () -> ()
    }
    %while3A_120 = arith.constant 1 : i32
    scf.for %while3A_153 = %while3A_118 to %while3A_114 step %while3A_120  : i32 {
      %mul3A_154 = arith.constant 2 : i32
      %mul3A_155 = arith.muli %mul3A_154, %while3A_153 : i32
      %add3A_156 = arith.constant 1 : i32
      %add3A_157 = arith.addi %mul3A_155, %add3A_156 : i32
      %mul3A_158 = arith.constant 32 : i32
      %mul3A_159 = arith.muli %add3A_157, %mul3A_158 : i32
      %add3A_160 = arith.addi %mul3A_33, %mul3A_159 : i32
      %add3A_161 = arith.constant 0 : i32
      %add3A_162 = arith.addi %add3A_160, %add3A_161 : i32
      %iota3A = tpu.iota {dimensions = array<i32: 0>} : vector<16xi32>
      %add3A_163 = vector.broadcast %add3A_162 : i32 to vector<16xi32>
      %add3A_164 = arith.addi %add3A_163, %iota3A : vector<16xi32>
      %convert_element_type3A_165 = arith.sitofp %add3A_164 : vector<16xi32> to vector<16xf32>
      %mul3A_166 = arith.mulf %get3A_38, %convert_element_type3A_165 : vector<16xf32>
      %convert_element_type3A_167 = arith.fptosi %mul3A_166 : vector<16xf32> to vector<16xi32>
      %convert_element_type3A_168 = arith.sitofp %convert_element_type3A_167 : vector<16xi32> to vector<16xf32>
      %sub3A_169 = arith.subf %mul3A_166, %convert_element_type3A_168 : vector<16xf32>
      %and3A_170 = arith.constant 1 : i32
      %and3A_171 = vector.broadcast %and3A_170 : i32 to vector<16xi32>
      %and3A_172 = arith.andi %convert_element_type3A_167, %and3A_171 : vector<16xi32>
      %eq3A_173 = arith.constant 1 : i32
      %eq3A_174 = vector.broadcast %eq3A_173 : i32 to vector<16xi32>
      %eq3A_175 = arith.cmpi eq, %and3A_172, %eq3A_174 : vector<16xi32>
      %gt3A_176 = arith.constant 5.000000e-01 : f32
      %gt3A_177 = vector.broadcast %gt3A_176 : f32 to vector<16xf32>
      %gt3A_178 = arith.cmpf ogt, %sub3A_169, %gt3A_177 : vector<16xf32>
      %eq3A_179 = arith.constant 5.000000e-01 : f32
      %eq3A_180 = vector.broadcast %eq3A_179 : f32 to vector<16xf32>
      %eq3A_181 = arith.cmpf oeq, %sub3A_169, %eq3A_180 : vector<16xf32>
      %and3A_182 = arith.andi %eq3A_181, %eq3A_175 : vector<16xi1>
      %or3A = arith.ori %gt3A_178, %and3A_182 : vector<16xi1>
      %jit3A_183 = arith.constant 1 : i32
      %jit3A_184 = arith.constant 0 : i32
      %broadcast_in_dim3A_185 = vector.broadcast %jit3A_183 : i32 to vector<16xi32>
      %broadcast_in_dim3A_186 = vector.broadcast %jit3A_184 : i32 to vector<16xi32>
      %select_n3A_187 = arith.select %or3A, %broadcast_in_dim3A_185, %broadcast_in_dim3A_186 : vector<16xi1>, vector<16xi32>
      %add3A_188 = arith.addi %convert_element_type3A_167, %select_n3A_187 : vector<16xi32>
      %max3A_189 = arith.constant 0 : i32
      %max3A_190 = vector.broadcast %max3A_189 : i32 to vector<16xi32>
      %max3A_191 = arith.maxsi %add3A_188, %max3A_190 : vector<16xi32>
      %min3A_192 = arith.constant 4095 : i32
      %min3A_193 = vector.broadcast %min3A_192 : i32 to vector<16xi32>
      %min3A_194 = arith.minsi %max3A_191, %min3A_193 : vector<16xi32>
      %lt3A_195 = arith.cmpi slt, %add3A_164, %get3A_41 : vector<16xi32>
      %jit3A_196 = arith.constant 1 : i32
      %broadcast_in_dim3A_197 = vector.broadcast %jit3A_196 : i32 to vector<16xi32>
      %select_n3A_198 = arith.select %lt3A_195, %min3A_194, %broadcast_in_dim3A_197 : vector<16xi1>, vector<16xi32>
      %add3A_199 = arith.addi %broadcast_in_dim3A, %select_n3A_198 : vector<16xi32>
      %swap3A = arith.constant 0 : index
      %swap3A_200 = tpu.vector_load %arg10[%swap3A] {strides = array<i32>} : memref<32xi32, #tpu.memory_space<vmem>>, vector<16xi32>,
      %swap3A_201 = vector.shape_cast %swap3A_200 : vector<16xi32> to vector<16xi32>
      %swap3A_202 = vector.shape_cast %add3A_199 : vector<16xi32> to vector<16xi32>
      tpu.vector_store %arg10[%swap3A], %swap3A_202 {strides = array<i32>} : memref<32xi32, #tpu.memory_space<vmem>>, vector<16xi32>,
      %mul3A_203 = arith.constant 32 : i32
      %mul3A_204 = arith.muli %add3A_157, %mul3A_203 : i32
      %add3A_205 = arith.addi %mul3A_33, %mul3A_204 : i32
      %add3A_206 = arith.constant 16 : i32
      %add3A_207 = arith.addi %add3A_205, %add3A_206 : i32
      %iota3A_208 = tpu.iota {dimensions = array<i32: 0>} : vector<16xi32>
      %add3A_209 = vector.broadcast %add3A_207 : i32 to vector<16xi32>
      %add3A_210 = arith.addi %add3A_209, %iota3A_208 : vector<16xi32>
      %convert_element_type3A_211 = arith.sitofp %add3A_210 : vector<16xi32> to vector<16xf32>
      %mul3A_212 = arith.mulf %get3A_38, %convert_element_type3A_211 : vector<16xf32>
      %convert_element_type3A_213 = arith.fptosi %mul3A_212 : vector<16xf32> to vector<16xi32>
      %convert_element_type3A_214 = arith.sitofp %convert_element_type3A_213 : vector<16xi32> to vector<16xf32>
      %sub3A_215 = arith.subf %mul3A_212, %convert_element_type3A_214 : vector<16xf32>
      %and3A_216 = arith.constant 1 : i32
      %and3A_217 = vector.broadcast %and3A_216 : i32 to vector<16xi32>
      %and3A_218 = arith.andi %convert_element_type3A_213, %and3A_217 : vector<16xi32>
      %eq3A_219 = arith.constant 1 : i32
      %eq3A_220 = vector.broadcast %eq3A_219 : i32 to vector<16xi32>
      %eq3A_221 = arith.cmpi eq, %and3A_218, %eq3A_220 : vector<16xi32>
      %gt3A_222 = arith.constant 5.000000e-01 : f32
      %gt3A_223 = vector.broadcast %gt3A_222 : f32 to vector<16xf32>
      %gt3A_224 = arith.cmpf ogt, %sub3A_215, %gt3A_223 : vector<16xf32>
      %eq3A_225 = arith.constant 5.000000e-01 : f32
      %eq3A_226 = vector.broadcast %eq3A_225 : f32 to vector<16xf32>
      %eq3A_227 = arith.cmpf oeq, %sub3A_215, %eq3A_226 : vector<16xf32>
      %and3A_228 = arith.andi %eq3A_227, %eq3A_221 : vector<16xi1>
      %or3A_229 = arith.ori %gt3A_224, %and3A_228 : vector<16xi1>
      %jit3A_230 = arith.constant 1 : i32
      %jit3A_231 = arith.constant 0 : i32
      %broadcast_in_dim3A_232 = vector.broadcast %jit3A_230 : i32 to vector<16xi32>
      %broadcast_in_dim3A_233 = vector.broadcast %jit3A_231 : i32 to vector<16xi32>
      %select_n3A_234 = arith.select %or3A_229, %broadcast_in_dim3A_232, %broadcast_in_dim3A_233 : vector<16xi1>, vector<16xi32>
      %add3A_235 = arith.addi %convert_element_type3A_213, %select_n3A_234 : vector<16xi32>
      %max3A_236 = arith.constant 0 : i32
      %max3A_237 = vector.broadcast %max3A_236 : i32 to vector<16xi32>
      %max3A_238 = arith.maxsi %add3A_235, %max3A_237 : vector<16xi32>
      %min3A_239 = arith.constant 4095 : i32
      %min3A_240 = vector.broadcast %min3A_239 : i32 to vector<16xi32>
      %min3A_241 = arith.minsi %max3A_238, %min3A_240 : vector<16xi32>
      %lt3A_242 = arith.cmpi slt, %add3A_210, %get3A_41 : vector<16xi32>
      %jit3A_243 = arith.constant 1 : i32
      %broadcast_in_dim3A_244 = vector.broadcast %jit3A_243 : i32 to vector<16xi32>
      %select_n3A_245 = arith.select %lt3A_242, %min3A_241, %broadcast_in_dim3A_244 : vector<16xi1>, vector<16xi32>
      %add3A_246 = arith.addi %broadcast_in_dim3A, %select_n3A_245 : vector<16xi32>
      %swap3A_247 = arith.constant 16 : index
      %swap3A_248 = tpu.vector_load %arg10[%swap3A_247] {strides = array<i32>} : memref<32xi32, #tpu.memory_space<vmem>>, vector<16xi32>,
      %swap3A_249 = vector.shape_cast %swap3A_248 : vector<16xi32> to vector<16xi32>
      %swap3A_250 = vector.shape_cast %add3A_246 : vector<16xi32> to vector<16xi32>
      tpu.vector_store %arg10[%swap3A_247], %swap3A_250 {strides = array<i32>} : memref<32xi32, #tpu.memory_space<vmem>>, vector<16xi32>,
      %dma_start3A = arith.constant 0 : i32
      %dma_start3A_251 = arith.constant 0 : i32
      %dma_start3A_252 = tpu.memref_slice %arg2[%dma_start3A, %dma_start3A_251] : memref<65536x1024xf32, #tpu.memory_space<hbm>> -> memref<65536x1024xf32, #tpu.memory_space<hbm>>
      tpu.enqueue_indirect_dma source(%dma_start3A_252 : memref<65536x1024xf32, #tpu.memory_space<hbm>>) target(%arg12 : memref<32x1024xf32, #tpu.memory_space<vmem>>) offsets(%arg10 : memref<32xi32, #tpu.memory_space<vmem>>) semaphore(%arg15 : memref<!tpu.dma_semaphore, #tpu.memory_space<semaphore_mem>>)
      %dma_wait3A = arith.constant 0 : i32
      %dma_wait3A_253 = arith.constant 0 : i32
      %dma_wait3A_254 = tpu.memref_slice %arg2[%dma_wait3A, %dma_wait3A_253] : memref<65536x1024xf32, #tpu.memory_space<hbm>> -> memref<65536x1024xf32, #tpu.memory_space<hbm>>
      tpu.wait_indirect_dma semaphore(%arg14 : memref<!tpu.dma_semaphore, #tpu.memory_space<semaphore_mem>>) src(%dma_wait3A_254 : memref<65536x1024xf32, #tpu.memory_space<hbm>>) dst(%arg11 : memref<32x1024xf32, #tpu.memory_space<vmem>>)
      %mul3A_255 = arith.constant 32 : i32
      %mul3A_256 = arith.muli %mul3A_155, %mul3A_255 : i32
      %add3A_257 = arith.addi %add3A_36, %mul3A_256 : i32
      "tpu.region"() ({
        %run_scoped3A = tpu.sem_alloc : memref<!tpu.dma_semaphore, #tpu.memory_space<semaphore_mem>>
        %dma_start3A_367 = arith.constant 0 : i32
        %dma_start3A_368 = tpu.memref_slice %arg5[%add3A_257, %dma_start3A_367] : memref<65536x1024xf32, #tpu.memory_space<hbm>> -> memref<32x1024xf32, #tpu.memory_space<hbm>>
        %dma_start3A_369 = arith.constant 0 : i32
        %dma_start3A_370 = tpu.memref_slice %arg5[%add3A_257, %dma_start3A_369] : memref<65536x1024xf32, #tpu.memory_space<hbm>> -> memref<32x1024xf32, #tpu.memory_space<hbm>>
        tpu.enqueue_dma source(%arg11 : memref<32x1024xf32, #tpu.memory_space<vmem>>) target(%dma_start3A_370 : memref<32x1024xf32, #tpu.memory_space<hbm>>) target_semaphore(%run_scoped3A : memref<!tpu.dma_semaphore, #tpu.memory_space<semaphore_mem>>)
        %dma_wait3A_371 = arith.constant 0 : i32
        %dma_wait3A_372 = tpu.memref_slice %arg5[%add3A_257, %dma_wait3A_371] : memref<65536x1024xf32, #tpu.memory_space<hbm>> -> memref<32x1024xf32, #tpu.memory_space<hbm>>
        %dma_wait3A_373 = arith.constant 0 : i32
        %dma_wait3A_374 = tpu.memref_slice %arg5[%add3A_257, %dma_wait3A_373] : memref<65536x1024xf32, #tpu.memory_space<hbm>> -> memref<32x1024xf32, #tpu.memory_space<hbm>>
        tpu.wait_dma2 semaphore(%run_scoped3A : memref<!tpu.dma_semaphore, #tpu.memory_space<semaphore_mem>>) src(%arg11 : memref<32x1024xf32, #tpu.memory_space<vmem>>) dst(%dma_wait3A_374 : memref<32x1024xf32, #tpu.memory_space<hbm>>)
        tpu.yield
      }) : () -> ()
      %add3A_258 = arith.constant 2 : i32
      %add3A_259 = arith.addi %mul3A_155, %add3A_258 : i32
      %mul3A_260 = arith.constant 32 : i32
      %mul3A_261 = arith.muli %add3A_259, %mul3A_260 : i32
      %add3A_262 = arith.addi %mul3A_33, %mul3A_261 : i32
      %add3A_263 = arith.constant 0 : i32
      %add3A_264 = arith.addi %add3A_262, %add3A_263 : i32
      %iota3A_265 = tpu.iota {dimensions = array<i32: 0>} : vector<16xi32>
      %add3A_266 = vector.broadcast %add3A_264 : i32 to vector<16xi32>
      %add3A_267 = arith.addi %add3A_266, %iota3A_265 : vector<16xi32>
      %convert_element_type3A_268 = arith.sitofp %add3A_267 : vector<16xi32> to vector<16xf32>
      %mul3A_269 = arith.mulf %get3A_38, %convert_element_type3A_268 : vector<16xf32>
      %convert_element_type3A_270 = arith.fptosi %mul3A_269 : vector<16xf32> to vector<16xi32>
      %convert_element_type3A_271 = arith.sitofp %convert_element_type3A_270 : vector<16xi32> to vector<16xf32>
      %sub3A_272 = arith.subf %mul3A_269, %convert_element_type3A_271 : vector<16xf32>
      %and3A_273 = arith.constant 1 : i32
      %and3A_274 = vector.broadcast %and3A_273 : i32 to vector<16xi32>
      %and3A_275 = arith.andi %convert_element_type3A_270, %and3A_274 : vector<16xi32>
      %eq3A_276 = arith.constant 1 : i32
      %eq3A_277 = vector.broadcast %eq3A_276 : i32 to vector<16xi32>
      %eq3A_278 = arith.cmpi eq, %and3A_275, %eq3A_277 : vector<16xi32>
      %gt3A_279 = arith.constant 5.000000e-01 : f32
      %gt3A_280 = vector.broadcast %gt3A_279 : f32 to vector<16xf32>
      %gt3A_281 = arith.cmpf ogt, %sub3A_272, %gt3A_280 : vector<16xf32>
      %eq3A_282 = arith.constant 5.000000e-01 : f32
      %eq3A_283 = vector.broadcast %eq3A_282 : f32 to vector<16xf32>
      %eq3A_284 = arith.cmpf oeq, %sub3A_272, %eq3A_283 : vector<16xf32>
      %and3A_285 = arith.andi %eq3A_284, %eq3A_278 : vector<16xi1>
      %or3A_286 = arith.ori %gt3A_281, %and3A_285 : vector<16xi1>
      %jit3A_287 = arith.constant 1 : i32
      %jit3A_288 = arith.constant 0 : i32
      %broadcast_in_dim3A_289 = vector.broadcast %jit3A_287 : i32 to vector<16xi32>
      %broadcast_in_dim3A_290 = vector.broadcast %jit3A_288 : i32 to vector<16xi32>
      %select_n3A_291 = arith.select %or3A_286, %broadcast_in_dim3A_289, %broadcast_in_dim3A_290 : vector<16xi1>, vector<16xi32>
      %add3A_292 = arith.addi %convert_element_type3A_270, %select_n3A_291 : vector<16xi32>
      %max3A_293 = arith.constant 0 : i32
      %max3A_294 = vector.broadcast %max3A_293 : i32 to vector<16xi32>
      %max3A_295 = arith.maxsi %add3A_292, %max3A_294 : vector<16xi32>
      %min3A_296 = arith.constant 4095 : i32
      %min3A_297 = vector.broadcast %min3A_296 : i32 to vector<16xi32>
      %min3A_298 = arith.minsi %max3A_295, %min3A_297 : vector<16xi32>
      %lt3A_299 = arith.cmpi slt, %add3A_267, %get3A_41 : vector<16xi32>
      %jit3A_300 = arith.constant 1 : i32
      %broadcast_in_dim3A_301 = vector.broadcast %jit3A_300 : i32 to vector<16xi32>
      %select_n3A_302 = arith.select %lt3A_299, %min3A_298, %broadcast_in_dim3A_301 : vector<16xi1>, vector<16xi32>
      %add3A_303 = arith.addi %broadcast_in_dim3A, %select_n3A_302 : vector<16xi32>
      %swap3A_304 = arith.constant 0 : index
      %swap3A_305 = tpu.vector_load %arg9[%swap3A_304] {strides = array<i32>} : memref<32xi32, #tpu.memory_space<vmem>>, vector<16xi32>,
      %swap3A_306 = vector.shape_cast %swap3A_305 : vector<16xi32> to vector<16xi32>
      %swap3A_307 = vector.shape_cast %add3A_303 : vector<16xi32> to vector<16xi32>
      tpu.vector_store %arg9[%swap3A_304], %swap3A_307 {strides = array<i32>} : memref<32xi32, #tpu.memory_space<vmem>>, vector<16xi32>,
      %mul3A_308 = arith.constant 32 : i32
      %mul3A_309 = arith.muli %add3A_259, %mul3A_308 : i32
      %add3A_310 = arith.addi %mul3A_33, %mul3A_309 : i32
      %add3A_311 = arith.constant 16 : i32
      %add3A_312 = arith.addi %add3A_310, %add3A_311 : i32
      %iota3A_313 = tpu.iota {dimensions = array<i32: 0>} : vector<16xi32>
      %add3A_314 = vector.broadcast %add3A_312 : i32 to vector<16xi32>
      %add3A_315 = arith.addi %add3A_314, %iota3A_313 : vector<16xi32>
      %convert_element_type3A_316 = arith.sitofp %add3A_315 : vector<16xi32> to vector<16xf32>
      %mul3A_317 = arith.mulf %get3A_38, %convert_element_type3A_316 : vector<16xf32>
      %convert_element_type3A_318 = arith.fptosi %mul3A_317 : vector<16xf32> to vector<16xi32>
      %convert_element_type3A_319 = arith.sitofp %convert_element_type3A_318 : vector<16xi32> to vector<16xf32>
      %sub3A_320 = arith.subf %mul3A_317, %convert_element_type3A_319 : vector<16xf32>
      %and3A_321 = arith.constant 1 : i32
      %and3A_322 = vector.broadcast %and3A_321 : i32 to vector<16xi32>
      %and3A_323 = arith.andi %convert_element_type3A_318, %and3A_322 : vector<16xi32>
      %eq3A_324 = arith.constant 1 : i32
      %eq3A_325 = vector.broadcast %eq3A_324 : i32 to vector<16xi32>
      %eq3A_326 = arith.cmpi eq, %and3A_323, %eq3A_325 : vector<16xi32>
      %gt3A_327 = arith.constant 5.000000e-01 : f32
      %gt3A_328 = vector.broadcast %gt3A_327 : f32 to vector<16xf32>
      %gt3A_329 = arith.cmpf ogt, %sub3A_320, %gt3A_328 : vector<16xf32>
      %eq3A_330 = arith.constant 5.000000e-01 : f32
      %eq3A_331 = vector.broadcast %eq3A_330 : f32 to vector<16xf32>
      %eq3A_332 = arith.cmpf oeq, %sub3A_320, %eq3A_331 : vector<16xf32>
      %and3A_333 = arith.andi %eq3A_332, %eq3A_326 : vector<16xi1>
      %or3A_334 = arith.ori %gt3A_329, %and3A_333 : vector<16xi1>
      %jit3A_335 = arith.constant 1 : i32
      %jit3A_336 = arith.constant 0 : i32
      %broadcast_in_dim3A_337 = vector.broadcast %jit3A_335 : i32 to vector<16xi32>
      %broadcast_in_dim3A_338 = vector.broadcast %jit3A_336 : i32 to vector<16xi32>
      %select_n3A_339 = arith.select %or3A_334, %broadcast_in_dim3A_337, %broadcast_in_dim3A_338 : vector<16xi1>, vector<16xi32>
      %add3A_340 = arith.addi %convert_element_type3A_318, %select_n3A_339 : vector<16xi32>
      %max3A_341 = arith.constant 0 : i32
      %max3A_342 = vector.broadcast %max3A_341 : i32 to vector<16xi32>
      %max3A_343 = arith.maxsi %add3A_340, %max3A_342 : vector<16xi32>
      %min3A_344 = arith.constant 4095 : i32
      %min3A_345 = vector.broadcast %min3A_344 : i32 to vector<16xi32>
      %min3A_346 = arith.minsi %max3A_343, %min3A_345 : vector<16xi32>
      %lt3A_347 = arith.cmpi slt, %add3A_315, %get3A_41 : vector<16xi32>
      %jit3A_348 = arith.constant 1 : i32
      %broadcast_in_dim3A_349 = vector.broadcast %jit3A_348 : i32 to vector<16xi32>
      %select_n3A_350 = arith.select %lt3A_347, %min3A_346, %broadcast_in_dim3A_349 : vector<16xi1>, vector<16xi32>
      %add3A_351 = arith.addi %broadcast_in_dim3A, %select_n3A_350 : vector<16xi32>
      %swap3A_352 = arith.constant 16 : index
      %swap3A_353 = tpu.vector_load %arg9[%swap3A_352] {strides = array<i32>} : memref<32xi32, #tpu.memory_space<vmem>>, vector<16xi32>,
      %swap3A_354 = vector.shape_cast %swap3A_353 : vector<16xi32> to vector<16xi32>
      %swap3A_355 = vector.shape_cast %add3A_351 : vector<16xi32> to vector<16xi32>
      tpu.vector_store %arg9[%swap3A_352], %swap3A_355 {strides = array<i32>} : memref<32xi32, #tpu.memory_space<vmem>>, vector<16xi32>,
      %dma_start3A_356 = arith.constant 0 : i32
      %dma_start3A_357 = arith.constant 0 : i32
      %dma_start3A_358 = tpu.memref_slice %arg2[%dma_start3A_356, %dma_start3A_357] : memref<65536x1024xf32, #tpu.memory_space<hbm>> -> memref<65536x1024xf32, #tpu.memory_space<hbm>>
      tpu.enqueue_indirect_dma source(%dma_start3A_358 : memref<65536x1024xf32, #tpu.memory_space<hbm>>) target(%arg11 : memref<32x1024xf32, #tpu.memory_space<vmem>>) offsets(%arg9 : memref<32xi32, #tpu.memory_space<vmem>>) semaphore(%arg14 : memref<!tpu.dma_semaphore, #tpu.memory_space<semaphore_mem>>)
      %dma_wait3A_359 = arith.constant 0 : i32
      %dma_wait3A_360 = arith.constant 0 : i32
      %dma_wait3A_361 = tpu.memref_slice %arg2[%dma_wait3A_359, %dma_wait3A_360] : memref<65536x1024xf32, #tpu.memory_space<hbm>> -> memref<65536x1024xf32, #tpu.memory_space<hbm>>
      tpu.wait_indirect_dma semaphore(%arg15 : memref<!tpu.dma_semaphore, #tpu.memory_space<semaphore_mem>>) src(%dma_wait3A_361 : memref<65536x1024xf32, #tpu.memory_space<hbm>>) dst(%arg12 : memref<32x1024xf32, #tpu.memory_space<vmem>>)
      %add3A_362 = arith.constant 1 : i32
      %add3A_363 = arith.addi %mul3A_155, %add3A_362 : i32
      %mul3A_364 = arith.constant 32 : i32
      %mul3A_365 = arith.muli %add3A_363, %mul3A_364 : i32
      %add3A_366 = arith.addi %add3A_36, %mul3A_365 : i32
      "tpu.region"() ({
        %run_scoped3A = tpu.sem_alloc : memref<!tpu.dma_semaphore, #tpu.memory_space<semaphore_mem>>
        %dma_start3A_367 = arith.constant 0 : i32
        %dma_start3A_368 = tpu.memref_slice %arg5[%add3A_366, %dma_start3A_367] : memref<65536x1024xf32, #tpu.memory_space<hbm>> -> memref<32x1024xf32, #tpu.memory_space<hbm>>
        %dma_start3A_369 = arith.constant 0 : i32
        %dma_start3A_370 = tpu.memref_slice %arg5[%add3A_366, %dma_start3A_369] : memref<65536x1024xf32, #tpu.memory_space<hbm>> -> memref<32x1024xf32, #tpu.memory_space<hbm>>
        tpu.enqueue_dma source(%arg12 : memref<32x1024xf32, #tpu.memory_space<vmem>>) target(%dma_start3A_370 : memref<32x1024xf32, #tpu.memory_space<hbm>>) target_semaphore(%run_scoped3A : memref<!tpu.dma_semaphore, #tpu.memory_space<semaphore_mem>>)
        %dma_wait3A_371 = arith.constant 0 : i32
        %dma_wait3A_372 = tpu.memref_slice %arg5[%add3A_366, %dma_wait3A_371] : memref<65536x1024xf32, #tpu.memory_space<hbm>> -> memref<32x1024xf32, #tpu.memory_space<hbm>>
        %dma_wait3A_373 = arith.constant 0 : i32
        %dma_wait3A_374 = tpu.memref_slice %arg5[%add3A_366, %dma_wait3A_373] : memref<65536x1024xf32, #tpu.memory_space<hbm>> -> memref<32x1024xf32, #tpu.memory_space<hbm>>
        tpu.wait_dma2 semaphore(%run_scoped3A : memref<!tpu.dma_semaphore, #tpu.memory_space<semaphore_mem>>) src(%arg12 : memref<32x1024xf32, #tpu.memory_space<vmem>>) dst(%dma_wait3A_374 : memref<32x1024xf32, #tpu.memory_space<hbm>>)
        tpu.yield
      }) : () -> ()
    }
    %gt3A_121 = arith.constant 0 : i32
    %gt3A_122 = arith.cmpi sgt, %select_n3A_103, %gt3A_121 : i32
    %convert_element_type3A_123 = arith.extui %gt3A_122 : i1 to i32
    %cond3A_124 = arith.constant 0 : i32
    %cond3A_125 = arith.cmpi ne, %convert_element_type3A_123, %cond3A_124 : i32
    scf.if %cond3A_125 {
      %mul3A_153 = arith.constant 2 : i32
      %mul3A_154 = arith.muli %mul3A_153, %select_n3A_103 : i32
      %sub3A_155 = arith.constant 2 : i32
      %sub3A_156 = arith.subi %mul3A_154, %sub3A_155 : i32
      %add3A_157 = arith.constant 1 : i32
      %add3A_158 = arith.addi %sub3A_156, %add3A_157 : i32
      %mul3A_159 = arith.constant 32 : i32
      %mul3A_160 = arith.muli %add3A_158, %mul3A_159 : i32
      %add3A_161 = arith.addi %mul3A_33, %mul3A_160 : i32
      %add3A_162 = arith.constant 0 : i32
      %add3A_163 = arith.addi %add3A_161, %add3A_162 : i32
      %iota3A = tpu.iota {dimensions = array<i32: 0>} : vector<16xi32>
      %add3A_164 = vector.broadcast %add3A_163 : i32 to vector<16xi32>
      %add3A_165 = arith.addi %add3A_164, %iota3A : vector<16xi32>
      %convert_element_type3A_166 = arith.sitofp %add3A_165 : vector<16xi32> to vector<16xf32>
      %mul3A_167 = arith.mulf %get3A_38, %convert_element_type3A_166 : vector<16xf32>
      %convert_element_type3A_168 = arith.fptosi %mul3A_167 : vector<16xf32> to vector<16xi32>
      %convert_element_type3A_169 = arith.sitofp %convert_element_type3A_168 : vector<16xi32> to vector<16xf32>
      %sub3A_170 = arith.subf %mul3A_167, %convert_element_type3A_169 : vector<16xf32>
      %and3A_171 = arith.constant 1 : i32
      %and3A_172 = vector.broadcast %and3A_171 : i32 to vector<16xi32>
      %and3A_173 = arith.andi %convert_element_type3A_168, %and3A_172 : vector<16xi32>
      %eq3A_174 = arith.constant 1 : i32
      %eq3A_175 = vector.broadcast %eq3A_174 : i32 to vector<16xi32>
      %eq3A_176 = arith.cmpi eq, %and3A_173, %eq3A_175 : vector<16xi32>
      %gt3A_177 = arith.constant 5.000000e-01 : f32
      %gt3A_178 = vector.broadcast %gt3A_177 : f32 to vector<16xf32>
      %gt3A_179 = arith.cmpf ogt, %sub3A_170, %gt3A_178 : vector<16xf32>
      %eq3A_180 = arith.constant 5.000000e-01 : f32
      %eq3A_181 = vector.broadcast %eq3A_180 : f32 to vector<16xf32>
      %eq3A_182 = arith.cmpf oeq, %sub3A_170, %eq3A_181 : vector<16xf32>
      %and3A_183 = arith.andi %eq3A_182, %eq3A_176 : vector<16xi1>
      %or3A = arith.ori %gt3A_179, %and3A_183 : vector<16xi1>
      %jit3A_184 = arith.constant 1 : i32
      %jit3A_185 = arith.constant 0 : i32
      %broadcast_in_dim3A_186 = vector.broadcast %jit3A_184 : i32 to vector<16xi32>
      %broadcast_in_dim3A_187 = vector.broadcast %jit3A_185 : i32 to vector<16xi32>
      %select_n3A_188 = arith.select %or3A, %broadcast_in_dim3A_186, %broadcast_in_dim3A_187 : vector<16xi1>, vector<16xi32>
      %add3A_189 = arith.addi %convert_element_type3A_168, %select_n3A_188 : vector<16xi32>
      %max3A_190 = arith.constant 0 : i32
      %max3A_191 = vector.broadcast %max3A_190 : i32 to vector<16xi32>
      %max3A_192 = arith.maxsi %add3A_189, %max3A_191 : vector<16xi32>
      %min3A_193 = arith.constant 4095 : i32
      %min3A_194 = vector.broadcast %min3A_193 : i32 to vector<16xi32>
      %min3A_195 = arith.minsi %max3A_192, %min3A_194 : vector<16xi32>
      %lt3A_196 = arith.cmpi slt, %add3A_165, %get3A_41 : vector<16xi32>
      %jit3A_197 = arith.constant 1 : i32
      %broadcast_in_dim3A_198 = vector.broadcast %jit3A_197 : i32 to vector<16xi32>
      %select_n3A_199 = arith.select %lt3A_196, %min3A_195, %broadcast_in_dim3A_198 : vector<16xi1>, vector<16xi32>
      %add3A_200 = arith.addi %broadcast_in_dim3A, %select_n3A_199 : vector<16xi32>
      %swap3A = arith.constant 0 : index
      %swap3A_201 = tpu.vector_load %arg10[%swap3A] {strides = array<i32>} : memref<32xi32, #tpu.memory_space<vmem>>, vector<16xi32>,
      %swap3A_202 = vector.shape_cast %swap3A_201 : vector<16xi32> to vector<16xi32>
      %swap3A_203 = vector.shape_cast %add3A_200 : vector<16xi32> to vector<16xi32>
      tpu.vector_store %arg10[%swap3A], %swap3A_203 {strides = array<i32>} : memref<32xi32, #tpu.memory_space<vmem>>, vector<16xi32>,
      %mul3A_204 = arith.constant 32 : i32
      %mul3A_205 = arith.muli %add3A_158, %mul3A_204 : i32
      %add3A_206 = arith.addi %mul3A_33, %mul3A_205 : i32
      %add3A_207 = arith.constant 16 : i32
      %add3A_208 = arith.addi %add3A_206, %add3A_207 : i32
      %iota3A_209 = tpu.iota {dimensions = array<i32: 0>} : vector<16xi32>
      %add3A_210 = vector.broadcast %add3A_208 : i32 to vector<16xi32>
      %add3A_211 = arith.addi %add3A_210, %iota3A_209 : vector<16xi32>
      %convert_element_type3A_212 = arith.sitofp %add3A_211 : vector<16xi32> to vector<16xf32>
      %mul3A_213 = arith.mulf %get3A_38, %convert_element_type3A_212 : vector<16xf32>
      %convert_element_type3A_214 = arith.fptosi %mul3A_213 : vector<16xf32> to vector<16xi32>
      %convert_element_type3A_215 = arith.sitofp %convert_element_type3A_214 : vector<16xi32> to vector<16xf32>
      %sub3A_216 = arith.subf %mul3A_213, %convert_element_type3A_215 : vector<16xf32>
      %and3A_217 = arith.constant 1 : i32
      %and3A_218 = vector.broadcast %and3A_217 : i32 to vector<16xi32>
      %and3A_219 = arith.andi %convert_element_type3A_214, %and3A_218 : vector<16xi32>
      %eq3A_220 = arith.constant 1 : i32
      %eq3A_221 = vector.broadcast %eq3A_220 : i32 to vector<16xi32>
      %eq3A_222 = arith.cmpi eq, %and3A_219, %eq3A_221 : vector<16xi32>
      %gt3A_223 = arith.constant 5.000000e-01 : f32
      %gt3A_224 = vector.broadcast %gt3A_223 : f32 to vector<16xf32>
      %gt3A_225 = arith.cmpf ogt, %sub3A_216, %gt3A_224 : vector<16xf32>
      %eq3A_226 = arith.constant 5.000000e-01 : f32
      %eq3A_227 = vector.broadcast %eq3A_226 : f32 to vector<16xf32>
      %eq3A_228 = arith.cmpf oeq, %sub3A_216, %eq3A_227 : vector<16xf32>
      %and3A_229 = arith.andi %eq3A_228, %eq3A_222 : vector<16xi1>
      %or3A_230 = arith.ori %gt3A_225, %and3A_229 : vector<16xi1>
      %jit3A_231 = arith.constant 1 : i32
      %jit3A_232 = arith.constant 0 : i32
      %broadcast_in_dim3A_233 = vector.broadcast %jit3A_231 : i32 to vector<16xi32>
      %broadcast_in_dim3A_234 = vector.broadcast %jit3A_232 : i32 to vector<16xi32>
      %select_n3A_235 = arith.select %or3A_230, %broadcast_in_dim3A_233, %broadcast_in_dim3A_234 : vector<16xi1>, vector<16xi32>
      %add3A_236 = arith.addi %convert_element_type3A_214, %select_n3A_235 : vector<16xi32>
      %max3A_237 = arith.constant 0 : i32
      %max3A_238 = vector.broadcast %max3A_237 : i32 to vector<16xi32>
      %max3A_239 = arith.maxsi %add3A_236, %max3A_238 : vector<16xi32>
      %min3A_240 = arith.constant 4095 : i32
      %min3A_241 = vector.broadcast %min3A_240 : i32 to vector<16xi32>
      %min3A_242 = arith.minsi %max3A_239, %min3A_241 : vector<16xi32>
      %lt3A_243 = arith.cmpi slt, %add3A_211, %get3A_41 : vector<16xi32>
      %jit3A_244 = arith.constant 1 : i32
      %broadcast_in_dim3A_245 = vector.broadcast %jit3A_244 : i32 to vector<16xi32>
      %select_n3A_246 = arith.select %lt3A_243, %min3A_242, %broadcast_in_dim3A_245 : vector<16xi1>, vector<16xi32>
      %add3A_247 = arith.addi %broadcast_in_dim3A, %select_n3A_246 : vector<16xi32>
      %swap3A_248 = arith.constant 16 : index
      %swap3A_249 = tpu.vector_load %arg10[%swap3A_248] {strides = array<i32>} : memref<32xi32, #tpu.memory_space<vmem>>, vector<16xi32>,
      %swap3A_250 = vector.shape_cast %swap3A_249 : vector<16xi32> to vector<16xi32>
      %swap3A_251 = vector.shape_cast %add3A_247 : vector<16xi32> to vector<16xi32>
      tpu.vector_store %arg10[%swap3A_248], %swap3A_251 {strides = array<i32>} : memref<32xi32, #tpu.memory_space<vmem>>, vector<16xi32>,
      %dma_start3A = arith.constant 0 : i32
      %dma_start3A_252 = arith.constant 0 : i32
      %dma_start3A_253 = tpu.memref_slice %arg2[%dma_start3A, %dma_start3A_252] : memref<65536x1024xf32, #tpu.memory_space<hbm>> -> memref<65536x1024xf32, #tpu.memory_space<hbm>>
      tpu.enqueue_indirect_dma source(%dma_start3A_253 : memref<65536x1024xf32, #tpu.memory_space<hbm>>) target(%arg12 : memref<32x1024xf32, #tpu.memory_space<vmem>>) offsets(%arg10 : memref<32xi32, #tpu.memory_space<vmem>>) semaphore(%arg15 : memref<!tpu.dma_semaphore, #tpu.memory_space<semaphore_mem>>)
      %dma_wait3A = arith.constant 0 : i32
      %dma_wait3A_254 = arith.constant 0 : i32
      %dma_wait3A_255 = tpu.memref_slice %arg2[%dma_wait3A, %dma_wait3A_254] : memref<65536x1024xf32, #tpu.memory_space<hbm>> -> memref<65536x1024xf32, #tpu.memory_space<hbm>>
      tpu.wait_indirect_dma semaphore(%arg14 : memref<!tpu.dma_semaphore, #tpu.memory_space<semaphore_mem>>) src(%dma_wait3A_255 : memref<65536x1024xf32, #tpu.memory_space<hbm>>) dst(%arg11 : memref<32x1024xf32, #tpu.memory_space<vmem>>)
      %mul3A_256 = arith.constant 32 : i32
      %mul3A_257 = arith.muli %sub3A_156, %mul3A_256 : i32
      %add3A_258 = arith.addi %add3A_36, %mul3A_257 : i32
      "tpu.region"() ({
        %run_scoped3A = tpu.sem_alloc : memref<!tpu.dma_semaphore, #tpu.memory_space<semaphore_mem>>
        %dma_start3A_267 = arith.constant 0 : i32
        %dma_start3A_268 = tpu.memref_slice %arg5[%add3A_258, %dma_start3A_267] : memref<65536x1024xf32, #tpu.memory_space<hbm>> -> memref<32x1024xf32, #tpu.memory_space<hbm>>
        %dma_start3A_269 = arith.constant 0 : i32
        %dma_start3A_270 = tpu.memref_slice %arg5[%add3A_258, %dma_start3A_269] : memref<65536x1024xf32, #tpu.memory_space<hbm>> -> memref<32x1024xf32, #tpu.memory_space<hbm>>
        tpu.enqueue_dma source(%arg11 : memref<32x1024xf32, #tpu.memory_space<vmem>>) target(%dma_start3A_270 : memref<32x1024xf32, #tpu.memory_space<hbm>>) target_semaphore(%run_scoped3A : memref<!tpu.dma_semaphore, #tpu.memory_space<semaphore_mem>>)
        %dma_wait3A_271 = arith.constant 0 : i32
        %dma_wait3A_272 = tpu.memref_slice %arg5[%add3A_258, %dma_wait3A_271] : memref<65536x1024xf32, #tpu.memory_space<hbm>> -> memref<32x1024xf32, #tpu.memory_space<hbm>>
        %dma_wait3A_273 = arith.constant 0 : i32
        %dma_wait3A_274 = tpu.memref_slice %arg5[%add3A_258, %dma_wait3A_273] : memref<65536x1024xf32, #tpu.memory_space<hbm>> -> memref<32x1024xf32, #tpu.memory_space<hbm>>
        tpu.wait_dma2 semaphore(%run_scoped3A : memref<!tpu.dma_semaphore, #tpu.memory_space<semaphore_mem>>) src(%arg11 : memref<32x1024xf32, #tpu.memory_space<vmem>>) dst(%dma_wait3A_274 : memref<32x1024xf32, #tpu.memory_space<hbm>>)
        tpu.yield
      }) : () -> ()
      %dma_wait3A_259 = arith.constant 0 : i32
      %dma_wait3A_260 = arith.constant 0 : i32
      %dma_wait3A_261 = tpu.memref_slice %arg2[%dma_wait3A_259, %dma_wait3A_260] : memref<65536x1024xf32, #tpu.memory_space<hbm>> -> memref<65536x1024xf32, #tpu.memory_space<hbm>>
      tpu.wait_indirect_dma semaphore(%arg15 : memref<!tpu.dma_semaphore, #tpu.memory_space<semaphore_mem>>) src(%dma_wait3A_261 : memref<65536x1024xf32, #tpu.memory_space<hbm>>) dst(%arg12 : memref<32x1024xf32, #tpu.memory_space<vmem>>)
      %add3A_262 = arith.constant 1 : i32
      %add3A_263 = arith.addi %sub3A_156, %add3A_262 : i32
      %mul3A_264 = arith.constant 32 : i32
      %mul3A_265 = arith.muli %add3A_263, %mul3A_264 : i32
      %add3A_266 = arith.addi %add3A_36, %mul3A_265 : i32
      "tpu.region"() ({
        %run_scoped3A = tpu.sem_alloc : memref<!tpu.dma_semaphore, #tpu.memory_space<semaphore_mem>>
        %dma_start3A_267 = arith.constant 0 : i32
        %dma_start3A_268 = tpu.memref_slice %arg5[%add3A_266, %dma_start3A_267] : memref<65536x1024xf32, #tpu.memory_space<hbm>> -> memref<32x1024xf32, #tpu.memory_space<hbm>>
        %dma_start3A_269 = arith.constant 0 : i32
        %dma_start3A_270 = tpu.memref_slice %arg5[%add3A_266, %dma_start3A_269] : memref<65536x1024xf32, #tpu.memory_space<hbm>> -> memref<32x1024xf32, #tpu.memory_space<hbm>>
        tpu.enqueue_dma source(%arg12 : memref<32x1024xf32, #tpu.memory_space<vmem>>) target(%dma_start3A_270 : memref<32x1024xf32, #tpu.memory_space<hbm>>) target_semaphore(%run_scoped3A : memref<!tpu.dma_semaphore, #tpu.memory_space<semaphore_mem>>)
        %dma_wait3A_271 = arith.constant 0 : i32
        %dma_wait3A_272 = tpu.memref_slice %arg5[%add3A_266, %dma_wait3A_271] : memref<65536x1024xf32, #tpu.memory_space<hbm>> -> memref<32x1024xf32, #tpu.memory_space<hbm>>
        %dma_wait3A_273 = arith.constant 0 : i32
        %dma_wait3A_274 = tpu.memref_slice %arg5[%add3A_266, %dma_wait3A_273] : memref<65536x1024xf32, #tpu.memory_space<hbm>> -> memref<32x1024xf32, #tpu.memory_space<hbm>>
        tpu.wait_dma2 semaphore(%run_scoped3A : memref<!tpu.dma_semaphore, #tpu.memory_space<semaphore_mem>>) src(%arg12 : memref<32x1024xf32, #tpu.memory_space<vmem>>) dst(%dma_wait3A_274 : memref<32x1024xf32, #tpu.memory_space<hbm>>)
        tpu.yield
      }) : () -> ()
    } else {
    }
    %gt3A_126 = arith.constant 0 : i32
    %gt3A_127 = arith.cmpi sgt, %sub3A_107, %gt3A_126 : i32
    %convert_element_type3A_128 = arith.extui %gt3A_127 : i1 to i32
    %cond3A_129 = arith.constant 0 : i32
    %cond3A_130 = arith.cmpi ne, %convert_element_type3A_128, %cond3A_129 : i32
    scf.if %cond3A_130 {
      %add3A_153 = arith.constant 1 : i32
      %add3A_154 = vector.broadcast %add3A_153 : i32 to vector<16xi32>
      %add3A_155 = arith.addi %broadcast_in_dim3A, %add3A_154 : vector<16xi32>
      %swap3A = arith.constant 0 : index
      %swap3A_156 = tpu.vector_load %arg9[%swap3A] {strides = array<i32>} : memref<32xi32, #tpu.memory_space<vmem>>, vector<16xi32>,
      %swap3A_157 = vector.shape_cast %swap3A_156 : vector<16xi32> to vector<16xi32>
      %swap3A_158 = vector.shape_cast %add3A_155 : vector<16xi32> to vector<16xi32>
      tpu.vector_store %arg9[%swap3A], %swap3A_158 {strides = array<i32>} : memref<32xi32, #tpu.memory_space<vmem>>, vector<16xi32>,
      %add3A_159 = arith.constant 1 : i32
      %add3A_160 = vector.broadcast %add3A_159 : i32 to vector<16xi32>
      %add3A_161 = arith.addi %broadcast_in_dim3A, %add3A_160 : vector<16xi32>
      %swap3A_162 = arith.constant 16 : index
      %swap3A_163 = tpu.vector_load %arg9[%swap3A_162] {strides = array<i32>} : memref<32xi32, #tpu.memory_space<vmem>>, vector<16xi32>,
      %swap3A_164 = vector.shape_cast %swap3A_163 : vector<16xi32> to vector<16xi32>
      %swap3A_165 = vector.shape_cast %add3A_161 : vector<16xi32> to vector<16xi32>
      tpu.vector_store %arg9[%swap3A_162], %swap3A_165 {strides = array<i32>} : memref<32xi32, #tpu.memory_space<vmem>>, vector<16xi32>,
      %dma_start3A = arith.constant 0 : i32
      %dma_start3A_166 = arith.constant 0 : i32
      %dma_start3A_167 = tpu.memref_slice %arg2[%dma_start3A, %dma_start3A_166] : memref<65536x1024xf32, #tpu.memory_space<hbm>> -> memref<65536x1024xf32, #tpu.memory_space<hbm>>
      tpu.enqueue_indirect_dma source(%dma_start3A_167 : memref<65536x1024xf32, #tpu.memory_space<hbm>>) target(%arg11 : memref<32x1024xf32, #tpu.memory_space<vmem>>) offsets(%arg9 : memref<32xi32, #tpu.memory_space<vmem>>) semaphore(%arg14 : memref<!tpu.dma_semaphore, #tpu.memory_space<semaphore_mem>>)
      %dma_wait3A = arith.constant 0 : i32
      %dma_wait3A_168 = arith.constant 0 : i32
      %dma_wait3A_169 = tpu.memref_slice %arg2[%dma_wait3A, %dma_wait3A_168] : memref<65536x1024xf32, #tpu.memory_space<hbm>> -> memref<65536x1024xf32, #tpu.memory_space<hbm>>
      tpu.wait_indirect_dma semaphore(%arg14 : memref<!tpu.dma_semaphore, #tpu.memory_space<semaphore_mem>>) src(%dma_wait3A_169 : memref<65536x1024xf32, #tpu.memory_space<hbm>>) dst(%arg11 : memref<32x1024xf32, #tpu.memory_space<vmem>>)
    } else {
    }
    %while3A_131 = arith.constant 0 : i32
    %while3A_132 = arith.constant 64 : i32
    %while3A_133 = arith.subi %while3A_132, %mul3A_105 : i32
    %while3A_134 = arith.addi %mul3A_105, %while3A_133 : i32
    %while3A_135 = arith.constant 1 : i32
    %while3A_136 = arith.divsi %while3A_133, %while3A_135 : i32
    %while3A_137 = arith.muli %while3A_136, %while3A_135 : i32
    %while3A_138 = arith.addi %mul3A_105, %while3A_137 : i32
    %while3A_139 = arith.constant 1 : i32
    scf.for %while3A_153 = %mul3A_105 to %while3A_138 step %while3A_139  : i32 {
      %mul3A_154 = arith.constant 32 : i32
      %mul3A_155 = arith.muli %while3A_153, %mul3A_154 : i32
      %add3A_156 = arith.addi %add3A_36, %mul3A_155 : i32
      %dma_start3A = arith.constant 0 : i32
      %dma_start3A_157 = tpu.memref_slice %arg5[%add3A_156, %dma_start3A] : memref<65536x1024xf32, #tpu.memory_space<hbm>> -> memref<32x1024xf32, #tpu.memory_space<hbm>>
      %dma_start3A_158 = arith.constant 0 : i32
      %dma_start3A_159 = tpu.memref_slice %arg5[%add3A_156, %dma_start3A_158] : memref<65536x1024xf32, #tpu.memory_space<hbm>> -> memref<32x1024xf32, #tpu.memory_space<hbm>>
      tpu.enqueue_dma source(%arg11 : memref<32x1024xf32, #tpu.memory_space<vmem>>) target(%dma_start3A_159 : memref<32x1024xf32, #tpu.memory_space<hbm>>) target_semaphore(%arg16 : memref<!tpu.dma_semaphore, #tpu.memory_space<semaphore_mem>>)
      %add3A_160 = arith.constant 16 : i32
      %add3A_161 = arith.addi %mul3A_105, %add3A_160 : i32
      %ge3A = arith.cmpi sge, %while3A_153, %add3A_161 : i32
      %convert_element_type3A_162 = arith.extui %ge3A : i1 to i32
      %cond3A_163 = arith.constant 0 : i32
      %cond3A_164 = arith.cmpi ne, %convert_element_type3A_162, %cond3A_163 : i32
      scf.if %cond3A_164 {
        %dma_wait3A = arith.constant 0 : i32
        %dma_wait3A_165 = tpu.memref_slice %arg5[%add3A_36, %dma_wait3A] : memref<65536x1024xf32, #tpu.memory_space<hbm>> -> memref<32x1024xf32, #tpu.memory_space<hbm>>
        %dma_wait3A_166 = arith.constant 0 : i32
        %dma_wait3A_167 = tpu.memref_slice %arg5[%add3A_36, %dma_wait3A_166] : memref<65536x1024xf32, #tpu.memory_space<hbm>> -> memref<32x1024xf32, #tpu.memory_space<hbm>>
        tpu.wait_dma2 semaphore(%arg16 : memref<!tpu.dma_semaphore, #tpu.memory_space<semaphore_mem>>) src(%arg11 : memref<32x1024xf32, #tpu.memory_space<vmem>>) dst(%dma_wait3A_167 : memref<32x1024xf32, #tpu.memory_space<hbm>>)
      } else {
      }
    }
    %while3A_140 = arith.constant 1 : i32
    scf.for %while3A_153 = %while3A_138 to %while3A_134 step %while3A_140  : i32 {
      %mul3A_154 = arith.constant 32 : i32
      %mul3A_155 = arith.muli %while3A_153, %mul3A_154 : i32
      %add3A_156 = arith.addi %add3A_36, %mul3A_155 : i32
      %dma_start3A = arith.constant 0 : i32
      %dma_start3A_157 = tpu.memref_slice %arg5[%add3A_156, %dma_start3A] : memref<65536x1024xf32, #tpu.memory_space<hbm>> -> memref<32x1024xf32, #tpu.memory_space<hbm>>
      %dma_start3A_158 = arith.constant 0 : i32
      %dma_start3A_159 = tpu.memref_slice %arg5[%add3A_156, %dma_start3A_158] : memref<65536x1024xf32, #tpu.memory_space<hbm>> -> memref<32x1024xf32, #tpu.memory_space<hbm>>
      tpu.enqueue_dma source(%arg11 : memref<32x1024xf32, #tpu.memory_space<vmem>>) target(%dma_start3A_159 : memref<32x1024xf32, #tpu.memory_space<hbm>>) target_semaphore(%arg16 : memref<!tpu.dma_semaphore, #tpu.memory_space<semaphore_mem>>)
      %add3A_160 = arith.constant 16 : i32
      %add3A_161 = arith.addi %mul3A_105, %add3A_160 : i32
      %ge3A = arith.cmpi sge, %while3A_153, %add3A_161 : i32
      %convert_element_type3A_162 = arith.extui %ge3A : i1 to i32
      %cond3A_163 = arith.constant 0 : i32
      %cond3A_164 = arith.cmpi ne, %convert_element_type3A_162, %cond3A_163 : i32
      scf.if %cond3A_164 {
        %dma_wait3A = arith.constant 0 : i32
        %dma_wait3A_165 = tpu.memref_slice %arg5[%add3A_36, %dma_wait3A] : memref<65536x1024xf32, #tpu.memory_space<hbm>> -> memref<32x1024xf32, #tpu.memory_space<hbm>>
        %dma_wait3A_166 = arith.constant 0 : i32
        %dma_wait3A_167 = tpu.memref_slice %arg5[%add3A_36, %dma_wait3A_166] : memref<65536x1024xf32, #tpu.memory_space<hbm>> -> memref<32x1024xf32, #tpu.memory_space<hbm>>
        tpu.wait_dma2 semaphore(%arg16 : memref<!tpu.dma_semaphore, #tpu.memory_space<semaphore_mem>>) src(%arg11 : memref<32x1024xf32, #tpu.memory_space<vmem>>) dst(%dma_wait3A_167 : memref<32x1024xf32, #tpu.memory_space<hbm>>)
      } else {
      }
    }
    %min3A_141 = arith.constant 16 : i32
    %min3A_142 = arith.minsi %sub3A_107, %min3A_141 : i32
    %while3A_143 = arith.constant 0 : i32
    %while3A_144 = arith.constant 0 : i32
    %while3A_145 = arith.subi %min3A_142, %while3A_144 : i32
    %while3A_146 = arith.addi %while3A_144, %while3A_145 : i32
    %while3A_147 = arith.constant 1 : i32
    %while3A_148 = arith.divsi %while3A_145, %while3A_147 : i32
    %while3A_149 = arith.muli %while3A_148, %while3A_147 : i32
    %while3A_150 = arith.addi %while3A_144, %while3A_149 : i32
    %while3A_151 = arith.constant 1 : i32
    scf.for %while3A_153 = %while3A_144 to %while3A_150 step %while3A_151  : i32 {
      %dma_wait3A = arith.constant 0 : i32
      %dma_wait3A_154 = tpu.memref_slice %arg5[%add3A_36, %dma_wait3A] : memref<65536x1024xf32, #tpu.memory_space<hbm>> -> memref<32x1024xf32, #tpu.memory_space<hbm>>
      %dma_wait3A_155 = arith.constant 0 : i32
      %dma_wait3A_156 = tpu.memref_slice %arg5[%add3A_36, %dma_wait3A_155] : memref<65536x1024xf32, #tpu.memory_space<hbm>> -> memref<32x1024xf32, #tpu.memory_space<hbm>>
      tpu.wait_dma2 semaphore(%arg16 : memref<!tpu.dma_semaphore, #tpu.memory_space<semaphore_mem>>) src(%arg11 : memref<32x1024xf32, #tpu.memory_space<vmem>>) dst(%dma_wait3A_156 : memref<32x1024xf32, #tpu.memory_space<hbm>>)
    }
    %while3A_152 = arith.constant 1 : i32
    scf.for %while3A_153 = %while3A_150 to %while3A_146 step %while3A_152  : i32 {
      %dma_wait3A = arith.constant 0 : i32
      %dma_wait3A_154 = tpu.memref_slice %arg5[%add3A_36, %dma_wait3A] : memref<65536x1024xf32, #tpu.memory_space<hbm>> -> memref<32x1024xf32, #tpu.memory_space<hbm>>
      %dma_wait3A_155 = arith.constant 0 : i32
      %dma_wait3A_156 = tpu.memref_slice %arg5[%add3A_36, %dma_wait3A_155] : memref<65536x1024xf32, #tpu.memory_space<hbm>> -> memref<32x1024xf32, #tpu.memory_space<hbm>>
      tpu.wait_dma2 semaphore(%arg16 : memref<!tpu.dma_semaphore, #tpu.memory_space<semaphore_mem>>) src(%arg11 : memref<32x1024xf32, #tpu.memory_space<vmem>>) dst(%dma_wait3A_156 : memref<32x1024xf32, #tpu.memory_space<hbm>>)
    }
    return
  }
}

</mosaic_0001>

<sc_bundles>
// kernel: _sc_call.3.cloned.1.call-start
scs
__scs_entry_jumppad:
0x0: {  	(pc) =	sbr.rel $0x88, $3  }
0x1: {  	(tag) =	ssettag $0x0;
	lr =	simm.s32 $0x1  }
0x2: {  	[smem:$0x3F9E] =	sst lr;
	_ =	strace $0xD0000000  }
0x3: {  	_ = 	snop  }
0x4: {  	_ = 	snop  }
0x5: {  	_ = 	snop  }
0x6: {  	_ = 	snop  }
0x7: {  	_ = 	snop  }
__scs_overlays_trampoline_lowered:
0x8: {  	[smem:$0x3FAD] =	sst s0  }
0x9: {  	[smem:$0x3FAE] =	sst s1  }
0xa: {  	[smem:$0x3FAF] =	sst s2  }
0xb: {  	[smem:$0x3FB0] =	sst s3  }
0xc: {  	[smem:$0x3FB1] =	sst s4  }
0xd: {  	[smem:$0x3FB2] =	sst s5  }
0xe: {  	[smem:$0x3FB3] =	sst s6  }
0xf: {  	[smem:$0x3FB4] =	sst s7  }
0x10: {  	[smem:$0x3FB5] =	sst s8  }
0x11: {  	[smem:$0x3FB6] =	sst s9;
	s0 =	simm.s32 @!p0 $0x0  }
0x12: {  	s1 =	sld [smem:$0x3F9C];
	s0 =	simm.s32 @p0 $0x1  }
0x13: {  	[smem:$0x3FB7] =	sst s0;
	s0 =	simm.s32 @!p1 $0x0  }
0x14: {  	s2 =	sld [smem:$0x3F9B];
	s0 =	simm.s32 @p1 $0x1  }
0x15: {  	[smem:$0x3FB8] =	sst s0;
	s0 =	simm.s32 @!p2 $0x0  }
0x16: {  	s3 =	sld [smem:$0x3FDB];
	s0 =	simm.s32 @p2 $0x1  }
0x17: {  	s4 =	simm.s32 $0x1BF5;
	[smem:$0x3FBA] =	sst s0  }
0x18: {  	s0 =	sld [smem:$0x3F9D];
	_ =	swait.ge [sflag:s4], $0x0  }
0x19: {  	s7 =	sld [smem:$0x3F9E]  }
0x1a: {  	s8 =	sadd.s32 $0xFFFFE003, lr  }
0x1b: {  	s9 =	sadd.s32 $0xFFFFFEF7, lr;
	s5 =	simm.s32 $0xFFFFFFFF;
	p2 =	slt.u32 s8, $0xFFFFF086  }
0x1c: {  	p1 =	slt.u32 s9, $0xF7A;
	s5 =	simm.s32 @!p2 $0x0  }
0x1d: {  	s5 =	simm.s32 @p1 $0x1;
	p0 =	seq.s32 s7, s2  }
0x1e: {  	s7 =	smul.u32 @!p0 $0xF7A, s2;
	p2 =	seq.s32 @!p0 s5, $0x0  }
0x1f: {  	s9 =	smul.u32 $0xF7A, s1;
	s8 =	simm.s32 @!p0 $0x1BF5;
	p2 =	por !p2, p0  }
0x20: {  	[sflag:s8] =	ssyncset.s32 @!p0 $0xFFFFF086;
	s6 =	sadd.s32 @!p0 s3, s7;
	s7 =	simm.s32 @!p0 $0x108  }
0x21: {  	s3 =	sadd.s32 s3, s9;
	s6 =	sadd.s32 @!p0 $0x88, s6;
	s7 =	simm.s32 @p2 $0x1082  }
0x22: {  	[simem:s7], [sflag:s8] =	dma.local @!p0 [hbm:s6], $0xF7A  }
0x23: {  	s9 =	sor.u32 $0xD0000000, s2;
	s6 =	simm.s32 $0x108;
	_ =	swait.ge @!p0 [sflag:s8], $0x0  }
0x24: {  	s3 =	sadd.s32 $0x88, s3;
	s6 =	simm.s32 @!p1 $0x1082;
	[sflag:s4] =	ssyncset.s32 $0xFFFFF086  }
0x25: {  	[simem:s6], [sflag:s4] =	dma.local [hbm:s3], $0xF7A  }
0x26: {  	[smem:$0x3F9E] =	sst s1;
	(tag) =	ssettag s2;
	_ =	strace s9  }
0x27: {  	s1 =	sld [smem:$0x3FAE]  }
0x28: {  	s2 =	sld [smem:$0x3FAF]  }
0x29: {  	s4 =	sld [smem:$0x3FB1]  }
0x2a: {  	p0 =	seq.s32 s5, $0x0;
	s5 =	sld [smem:$0x3FB2]  }
0x2b: {  	s6 =	sld [smem:$0x3FB3]  }
0x2c: {  	s7 =	sld [smem:$0x3FB4]  }
0x2d: {  	s3 =	simm.s32 $0x108;
	s8 =	sld [smem:$0x3FB5]  }
0x2e: {  	s3 =	simm.s32 @!p0 $0x1082;
	s9 =	sld [smem:$0x3FB6]  }
0x2f: {  	lr =	sadd.s32 s0, s3;
	s0 =	sld [smem:$0x3FAD]  }
0x30: {  	s3 =	sld [smem:$0x3FB0]  }
0x31: {  	[smem:$0x3FB9] =	sst s10  }
0x32: {  	s10 =	sld [smem:$0x3FB7];
	_ =	sdelay $0x3  }
0x33: {  	p0 =	seq.s32 s10, $0x1;
	s10 =	sld [smem:$0x3FB9];
	_ =	sdelay $0x3  }
0x34: {  	[smem:$0x3FB9] =	sst s10  }
0x35: {  	s10 =	sld [smem:$0x3FB8];
	_ =	sdelay $0x3  }
0x36: {  	p1 =	seq.s32 s10, $0x1;
	s10 =	sld [smem:$0x3FB9];
	_ =	sdelay $0x3  }
0x37: {  	[smem:$0x3FB9] =	sst s10  }
0x38: {  	s10 =	sld [smem:$0x3FBA]  }
0x39: {  	_ = 	snop;
	(pc) =	sbr.ind lr, $3  }
0x3a: {  	_ = 	snop  }
0x3b: {  	_ = 	snop  }
0x3c: {  	p2 =	seq.s32 s10, $0x1;
	s10 =	sld [smem:$0x3FB9]  }
0x3d: {  	_ =	shalt  }
0x3e: {  	_ =	shalt  }
0x3f: {  	_ =	shalt  }
0x40: {  	_ =	shalt  }
0x41: {  	_ =	shalt  }
0x42: {  	_ =	shalt  }
0x43: {  	_ =	shalt  }
0x44: {  	_ =	shalt  }
0x45: {  	_ =	shalt  }
0x46: {  	_ =	shalt  }
0x47: {  	_ =	shalt  }
0x48: {  	_ =	shalt  }
0x49: {  	_ =	shalt  }
0x4a: {  	_ =	shalt  }
0x4b: {  	_ =	shalt  }
0x4c: {  	_ =	shalt  }
0x4d: {  	_ =	shalt  }
0x4e: {  	_ =	shalt  }
0x4f: {  	_ =	shalt  }
0x50: {  	_ =	shalt  }
0x51: {  	_ =	shalt  }
0x52: {  	_ =	shalt  }
0x53: {  	_ =	shalt  }
0x54: {  	_ =	shalt  }
0x55: {  	_ =	shalt  }
0x56: {  	_ =	shalt  }
0x57: {  	_ =	shalt  }
0x58: {  	_ =	shalt  }
0x59: {  	_ =	shalt  }
0x5a: {  	_ =	shalt  }
0x5b: {  	_ =	shalt  }
0x5c: {  	_ =	shalt  }
0x5d: {  	_ =	shalt  }
0x5e: {  	_ =	shalt  }
0x5f: {  	_ =	shalt  }
0x60: {  	_ =	shalt  }
0x61: {  	_ =	shalt  }
0x62: {  	_ =	shalt  }
0x63: {  	_ =	shalt  }
0x64: {  	_ =	shalt  }
0x65: {  	_ =	shalt  }
0x66: {  	_ =	shalt  }
0x67: {  	_ =	shalt  }
0x68: {  	_ =	shalt  }
0x69: {  	_ =	shalt  }
0x6a: {  	_ =	shalt  }
0x6b: {  	_ =	shalt  }
0x6c: {  	_ =	shalt  }
0x6d: {  	_ =	shalt  }
0x6e: {  	_ =	shalt  }
0x6f: {  	_ =	shalt  }
0x70: {  	_ =	shalt  }
0x71: {  	_ =	shalt  }
0x72: {  	_ =	shalt  }
0x73: {  	_ =	shalt  }
0x74: {  	_ =	shalt  }
0x75: {  	_ =	shalt  }
0x76: {  	_ =	shalt  }
0x77: {  	_ =	shalt  }
0x78: {  	_ =	shalt  }
0x79: {  	_ =	shalt  }
0x7a: {  	_ =	shalt  }
0x7b: {  	_ =	shalt  }
0x7c: {  	_ =	shalt  }
0x7d: {  	_ =	shalt  }
0x7e: {  	_ =	shalt  }
0x7f: {  	_ =	shalt  }
0x80: {  	_ =	shalt  }
0x81: {  	_ =	shalt  }
0x82: {  	_ =	shalt  }
0x83: {  	_ =	shalt  }
0x84: {  	_ =	shalt  }
0x85: {  	_ =	shalt  }
0x86: {  	_ =	shalt  }
0x87: {  	_ =	shalt  }
.Lfunc_end0:
.L_simem_size_0:
called_computation_lowered:
.L_overlay_start_0:
0x88: {  	s2 =	sld [smem:$0x3FD9]  }
0x89: {  	s3 =	sld [smem:$0x3FFE];
	_ =	sdelay $0x1  }
0x8a: {  	s1 =	srdreg.scid  }
0x8b: {  	s0 =	sand.u32 $0x1, s1  }
0x8c: {  	s14 =	sshll.u32 s0, $0xA;
	s2 =	sadd.s32 s3, s2  }
0x8d: {  	s2 =	sadd.s32 s2, s14  }
0x8e: {  	[smem:$0x3FC5] =	sst s2  }
0x8f: {  	_ = 	snop  }
0x90: {  	s2 =	sld [smem:$0x3FD0];
	_ =	sdelay $0x2  }
0x91: {  	s4 =	simm.s32 $0xA;
	s5 =	simm.s32 $0x10;
	s15 =	sld [smem:$0x3FC9]  }
0x92: {  	[smem:s5], [sflag:s4] =	dma.local [hbm:s2], $0x1  }
0x93: {  	_ =	swait.eq [sflag:s4], $0x1  }
0x94: {  	[sflag:s4] =	ssyncset.done $0x0  }
0x95: {  	s16 =	sld [smem:$0x10];
	[sflag:s4] =	ssyncadd.s32 $0xFFFFFFFF  }
0x96: {  	s17 =	sld [smem:$0x11];
	(tm) =	ssettm $0x1  }
0x97: {  	s18 =	sld [smem:$0x3FFB];
	_ =	sdelay $0x3  }
0x98: {  	_ =	strace s18  }
0x99: {  	s5 =	sld [smem:$0x3FFC];
	_ =	sdelay $0x3  }
0x9a: {  	_ =	strace s5  }
0x9b: {  	s5 =	sld [smem:$0x3FFD];
	_ =	sdelay $0x3  }
0x9c: {  	_ =	strace s5  }
0x9d: {  	_ =	strace $0x8FFFFFFF  }
0x9e: {  	s19 =	sld [smem:$0x3FDB];
	_ =	sdelay $0x1  }
0x9f: {  	s6 =	simm.s32 $_scs_section_size  }
0xa0: {  	s7 =	simm.s32 $_size__tile_overlayer_lowered;
	s8 =	simm.s32 $_tile_overlayer_lowered  }
0xa1: {  	s22 =	simm.s32 $0x1BFF;
	s21 =	sshll.u32 s8, $0x1;
	s5 =	sadd.s32 s6, s19  }
0xa2: {  	s9 =	simm.s32 $0x0;
	s20 =	sshll.u32 s7, $0x1;
	s7 =	sadd.s32 s21, s5  }
0xa3: {  	[timem:s9], [sflag:s22] =	dma.local [hbm:s7], s20  }
0xa4: {  	_ =	swait.ge [sflag:s22], s20  }
0xa5: {  	s6 =	ssub.s32 $0x0, s20;
	[sflag:s22] =	ssyncset.done $0x0  }
0xa6: {  	[sflag:s22] =	ssyncadd.s32 s6;
	_ =	sdelay $0x1  }
0xa7: {  	s23 =	simm.s32 $0x1B8B  }
0xa8: {  	_ =	swait.ge [sflag:s23], $0x1  }
0xa9: {  	[sflag:s23] =	ssyncset.done $0x0  }
0xaa: {  	s25 =	simm.s32 $0x1B8E;
	s24 =	sld [smem:$0x3FFE];
	[sflag:s23] =	ssyncadd.s32 $0xFFFFFFFF  }
0xab: {  	s26 =	simm.s32 $execute0_lowered;
	[smem:$0x3FD2] =	sst s25  }
0xac: {  	s7 =	sshll.u32 s26, $0x1;
	_ =	strace $0x80000046;
	[dreg:$0x1] =	wrdreg $0xFFFFFFFF  }
0xad: {  	s28 =	simm.s32 $_size_execute0_lowered;
	s5 =	sadd.s32 s5, s7;
	[dreg:$0x0] =	wrdreg $0x0  }
0xae: {  	s7 =	sshll.u32 s28, $0x1;
	[dreg:$0x2] =	wrdreg s5  }
0xaf: {  	[dreg:$0x3] =	wrdreg s7  }
0xb0: {  	[dreg:$0x4] =	wrdreg $0xC0  }
0xb1: {  	_ =	task [dreg:s9], $0x5FFFF  }
0xb2: {  	[dreg:$0x1] =	wrdreg $0xFFFFFFFF  }
0xb3: {  	[dreg:$0x0] =	wrdreg $0x60  }
0xb4: {  	[dreg:$0x2] =	wrdreg s15  }
0xb5: {  	[dreg:$0x3] =	wrdreg s24  }
0xb6: {  	[dreg:$0x4] =	wrdreg s16  }
0xb7: {  	[dreg:$0x5] =	wrdreg s17  }
0xb8: {  	[dreg:$0x6] =	wrdreg $0x9  }
0xb9: {  	_ =	task.clear_ibuf [dreg:s9], $0x7FFFF;
	_ =	strace $0x90000046  }
0xba: {  	s29 =	simm.s32 $0x9;
	_ =	strace $0x80000048  }
0xbb: {  	_ =	swait.ge [sflag:s29], $0x1  }
0xbc: {  	[sflag:s29] =	ssyncadd.s32 $0xFFFFFFFF  }
0xbd: {  	_ =	strace $0x90000048  }
0xbe: {  	_ =	sfence  }
0xbf: {  	s30 =	sld [smem:$0x0];
	_ =	sdelay $0x2  }
0xc0: {  	s31 =	sshll.u32 s1, $0xD;
	s1 =	sshrl.u32 s1, $0x2  }
0xc1: {  	s3 =	sand.u32 $0x4000, s31;
	s1 =	sadd.s32 s1, s30  }
0xc2: {  	s0 =	sor.u32 s3, s0;
	s1 =	sshll.u32 s1, $0x11  }
0xc3: {  	s0 =	sor.u32 s1, s0  }
0xc4: {  	s0 =	sadd.s32 $0x8F2B, s0  }
0xc5: {  	[sflag:s0] =	ssyncadd.remote.s32 $0x1  }
0xc6: {  	_ =	sfence.sel $0xFFFF  }
0xc7: {  	[dreg:$0x0] =	wrdreg $0xFFFFFFFF;
	(pc) =	sbr.abs _section_cstart, $3  }
0xc8: {  	[dreg:$0x1] =	wrdreg $0xFFFFFFFF  }
0xc9: {  	_ =	task.clear_ibuf [dreg:s9], $0x2FFFF;
	_ =	strace $0x9FFFFFFF  }
0xca: {  	(tm) =	ssettm $0x7FFFFFFF  }
0xcb: {  	_ =	shalt  }
tec
execute0_lowered:
.L_overlay_start_1:
0x0: {  	(tag) =	ssettag $0x1  }
0x1: {  	s1 =	rddreg [dreg:$0x0]  }
0x2: {  	s0 =	srdreg.scid;
	s6 =	rddreg [dreg:$0x1]  }
0x3: {  	s10 =	stileid.u32;
	s8 =	rddreg [dreg:$0x3];
	s7 =	simm.s32 $0x1  }
0x4: {  	s4 =	simm.s32 $0x0;
	s19 =	simm.s32 $0x4;
	s15 =	simm.s32 $0x9200  }
0x5: {  	s29 =	simm.s32 $0xDA00;
	s31 =	simm.s32 $0xEA00;
	s2 =	sand.u32 $0x1, s0  }
0x6: {  	s3 =	sshll.u32 s10, $0x1;
	[smem:$0x7FF] =	sst s4;
	s22 =	sand.u32 $0x1, s10  }
0x7: {  	s11 =	sadd.s32 $0x100, s1;
	s12 =	sadd.s32 $0x200, s1;
	s13 =	sadd.s32 $0x300, s1  }
0x8: {  	s5 =	sor.u32 s2, s3;
	p0 =	seq.s32 s2, $0x1;
	s3 =	rddreg [dreg:$0x2]  }
0x9: {  	_ =	strace $0x80000047;
	s2 =	ssub.s32 $0x2, s2;
	p2 =	seq.s32 s22, $0x1  }
0xa: {  	s22 =	simm.s32 $0x8200;
	p1 =	seq.s32 s5, $0x0;
	s5 =	sshll.u32 s5, $0x4  }
0xb: {  	s17 =	sshrl.u32 s2, $0x1;
	p3 =	por !p2, !p2;
	p1 =	por !p1, !p0  }
0xc: {  	s5 =	sadd.s32 s5, s6;
	s2 =	ssub.s32 s2, s17;
	s17 =	simm.s32 $0x0  }
0xd: {  	p1 =	por !p1, !p1;
	s6 =	sadd.s32 $0x600, s5;
	s5 =	sadd.s32 $0x800, s5  }
0xe: {  	s2 =	smax.u32 s2, $0x1;
	s7 =	simm.s32 @!p1 $0x0;
	[dreg:$0x7] =	wrdreg s6  }
0xf: {  	[dreg:$0x8] =	wrdreg s5;
	p3 =	por @!p1 p2, p2;
	p1 =	por !p0, !p0  }
0x10: {  	[dreg:$0xb] =	wrdreg s2;
	s2 =	simm.s32 $0x1;
	s9 =	ssub.s32 s10, s7  }
0x11: {  	s7 =	simm.s32 $0x1;
	p1 =	por @!p3 p0, p0;
	s0 =	sadd.s32 s0, s9  }
0x12: {  	s18 =	sshll.u32 s9, $0xC;
	s25 =	sshll.u32 s9, $0x16;
	s2 =	simm.s32 @!p1 $0x0  }
0x13: {  	s26 =	sshll.u32 s9, $0x13;
	s9 =	simm.s32 $0x200;
	s0 =	sshll.u32 s0, $0xB  }
0x14: {  	s28 =	sshll.u32 s2, $0x15;
	s2 =	sshll.u32 s2, $0x12;
	s16 =	sand.u32 $0x800, s0  }
0x15: {  	s5 =	sor.u32 s28, s25;
	s14 =	sor.u32 s18, s16;
	s23 =	sor.u32 $0x10, s16  }
0x16: {  	v1 =	vlaneseq.u32;
	v10 =	vimm.f32 $0.0e+00;
	[dreg:$0xc] =	wrdreg s5;
	s30 =	sor.u32 $0x50, s16;
	s5 =	simm.s32 $0x9A00  }
0x17: {  	v11 =	vimm.s32 $0x0;
	vm0 =	vmmov $0xffff;
	v0 =	vmov s18;
	[dreg:$0x5] =	wrdreg s16;
	s18 =	simm.s32 $0x1200;
	s20 =	sshrl.u32 s14, $0x3  }
.Ltmp0:
0x18: {  	v8 =	vshrl.u32 v1, $0x3;
	v7 =	vor.u32 $0x8, v1;
	v6 =	vshll.u32 v0, $0x3;
	[dreg:$0x6] =	wrdreg s14;
	s24 =	sadd.s32 $0xFFFFFFC0, s14;
	(pc) =	sbr.rel .LBB2_1-.Ltmp0, $4  }
0x19: {  	v8 =	vmul.u32 $0x8, v8;
	v9 =	vor.u32 $0x1, v6;
	v6 =	vand.u32 $0x7, v1;
	[dreg:$0xd] =	wrdreg s30;
	s21 =	sadd.s32 s8, s20;
	s8 =	sadd.s32 s26, s3  }
0x1a: {  	v3 =	vor.u32 s16, v1;
	v12 =	vperm.xlane v9, v6;
	v13 =	vperm.xlane v9, v7;
	[dreg:$0xa] =	wrdreg s24;
	s24 =	simm.s32 $0xA200;
	s2 =	sadd.s32 s2, s8  }
0x1b: {  	v2 =	vor.u32 s23, v1;
	v4 =	vcvt.s32.f32 v3;
	v9 =	vor.u32 $0x1, v0;
	s26 =	simm.s32 $0xCA00;
	[dreg:$0x9] =	wrdreg s21;
	s2 =	sadd.s32 $0x1000, s2  }
0x1c: {  	s20 =	simm.s32 $0xA00;
	v5 =	vcvt.s32.f32 v2;
	s21 =	simm.s32 $0x8A00;
	v12 =	vadd.s32 v8, v12;
	v13 =	vadd.s32 v8, v13;
	[dreg:$0xe] =	wrdreg s2  }
.LBB2_20:
0x1d: {  	[sflag:s8] =	ssyncadd.s32 $0xFFFF8000;
	s21 =	simm.s32 $0x8A00;
	s15 =	simm.s32 $0x9200  }
0x1e: {  	s5 =	simm.s32 $0x9A00;
	s17 =	rddreg [dreg:$0xf];
	s18 =	simm.s32 $0x1200  }
.LBB2_21:
0x1f: {  	s17 =	sadd.s32 $0x1, s17;
	s6 =	rddreg [dreg:$0xb]  }
0x20: {  	p0 =	sne.s32 s17, s6  }
.Ltmp1:
0x21: {  	_ = 	snop;
	(pc) =	sbr.rel @!p0 .LBB2_22-.Ltmp1, $1  }
0x22: {  	_ =	sdelay $0x3  }
.LBB2_1:
0x23: {  	[dreg:$0xf] =	wrdreg s17  }
0x24: {  	s6 =	rddreg [dreg:$0x7]  }
0x25: {  	[tilespmem:s4], [sflag:$0x4] =	stream.linear.gather [hbm4b:s6+s4], $0x80, $0x38;
	[tilespmem:$0x10A00] =	vst v63  }
0x26: {  	_ =	swait.ge [sflag:s19], $0x80  }
0x27: {  	[sflag:s19] =	ssyncset.done $0x0  }
0x28: {  	s8 =	simm.s32 $0x80;
	s17 =	rddreg [dreg:$0x8];
	[sflag:s19] =	ssyncadd.s32 $0xFFFFFF80  }
0x29: {  	[tilespmem:s8], [sflag:$0x4] =	stream.linear.gather [hbm4b:s17+s4], $0x80, $0x38;
	[tilespmem:$0x10A00] =	vst v63  }
0x2a: {  	_ =	swait.ge [sflag:s19], $0x80  }
0x2b: {  	[sflag:s19] =	ssyncset.done $0x0  }
0x2c: {  	[sflag:s19] =	ssyncadd.s32 $0xFFFFFF80  }
0x2d: {  	v14 =	vld [tilespmem:$0x80];
	_ =	sdelay $0x1  }
0x2e: {  	s8 =	rddreg [dreg:$0x5]  }
0x2f: {  	s23 =	sadd.s32 $0x10, s8  }
0x30: {  	s0 =	simm.s32 $0xB200;
	s16 =	simm.s32 $0xBA00;
	v15 =	vor.u32 s23, v1  }
0x31: {  	s25 =	simm.s32 $0xC200;
	s28 =	simm.s32 $0xD200;
	s30 =	simm.s32 $0xE200;
	vm1 =	vlt.s32 v3, v14;
	vm2 =	vlt.s32 v15, v14  }
0x32: {  	s2 =	simm.s32 $0xF200;
	s10 =	simm.s32 $0x0;
	s6 =	simm.s32 $0x80;
	v15 =	vld [tilespmem:$0x0];
	v16 =	vsel vm1, $0x3F800000, v10;
	v17 =	vsel vm2, $0x3F800000, v10  }
.LBB2_2:
0x33: {  	p0 =	sne.s32 s6, $0x1F80  }
0x34: {  	[tilespmem:s10+$0x10210] =	vst v17;
	s8 =	sadd.s32 $0x20, s8;
	s14 =	smov.u32 s6;
	s6 =	sadd.s32 $0x80, s6  }
.Ltmp2:
0x35: {  	[tilespmem:s10+$0x10200] =	vst v16;
	(pc) =	sbr.rel @p0 .LBB2_2-.Ltmp2, $4  }
0x36: {  	s10 =	sadd.s32 $0x10, s8  }
0x37: {  	v16 =	vor.u32 s8, v1;
	v17 =	vor.u32 s10, v1  }
0x38: {  	vm2 =	vlt.s32 v16, v14;
	vm3 =	vlt.s32 v17, v14  }
0x39: {  	s10 =	sshra.s32 s14, $0x2;
	v16 =	vsel vm2, $0x3F800000, v10;
	v17 =	vsel vm3, $0x3F800000, v10  }
0x3a: {  	(v2sf) =	vpush v14, $0x0;
	_ =	sdelay $0xb  }
0x3b: {  	[tilespmem:s10+$0x10210] =	vst v17  }
0x3c: {  	[tilespmem:s10+$0x10200] =	vst v16;
	s8 =	rddreg [dreg:$0x9];
	s17 =	simm.s32 $0x10200  }
0x3d: {  	[hbm4b:s8+s4] =	stream.linear.scatter [tilespmem:s17], [sflag:$0x4], $0x800, $0x38;
	[tilespmem:$0x10A00] =	vst v63  }
0x3e: {  	s23 =	rddreg [dreg:$0x5];
	s6 =	spop (v2sf)  }
0x3f: {  	s17 =	ssub.s32 s6, s23  }
0x40: {  	p0 =	sgt.s32 s17, $0x0;
	s6 =	smov.u32 s17  }
0x41: {  	s6 =	simm.s32 @!p0 $0x0  }
0x42: {  	s6 =	smin.u32 s6, $0x800  }
0x43: {  	s6 =	sadd.s32 $0x1F, s6  }
0x44: {  	s6 =	sshrl.u32 s6, $0x5  }
0x45: {  	s23 =	sadd.s32 $0x1, s6  }
0x46: {  	s6 =	sshrl.u32 s23, $0x1  }
0x47: {  	p0 =	seq.s32 s6, $0x0  }
.Ltmp3:
0x48: {  	_ = 	snop;
	(pc) =	sbr.rel @p0 .LBB2_5-.Ltmp3, $4  }
0x49: {  	_ = 	snop  }
0x4a: {  	_ =	swait.ge [sflag:s19], $0x800  }
0x4b: {  	s10 =	simm.s32 $0x1A00;
	s14 =	simm.s32 $0x2200;
	[sflag:s19] =	ssyncset.done $0x0  }
0x4c: {  	s8 =	simm.s32 $0x2A00;
	[sflag:s19] =	ssyncadd.s32 $0xFFFFF800;
	[dreg:$0x10] =	wrdreg s6  }
0x4d: {  	v16 =	vmul.f32 v4, v15;
	_ =	sdelay $0x1  }
0x4e: {  	v17 =	vtrunc.f32 v16  }
0x4f: {  	v17 =	vcvt.f32.s32 v17;
	_ =	sdelay $0x1  }
0x50: {  	v18 =	vcvt.s32.f32 v17;
	_ =	sdelay $0x1  }
0x51: {  	v16 =	vsub.f32 v16, v18  }
0x52: {  	v58 =	vand.u32 $0x1, v17  }
0x53: {  	v59 =	vmul.f32 v5, v15;
	vm2 =	veq.s32 v58, $0x1;
	vm3 =	veq.f32 v16, $5.000000000e-01  }
0x54: {  	vm4 =	vgt.f32 v16, $5.000000000e-01;
	vm2 =	vmand vm3, vm2  }
0x55: {  	v16 =	vtrunc.f32 v59;
	vm2 =	vmor vm4, vm2  }
0x56: {  	v16 =	vcvt.f32.s32 v16;
	v19 =	vsel vm2, $0x1, v11  }
0x57: {  	v17 =	vadd.s32 v17, v19  }
0x58: {  	v60 =	vcvt.s32.f32 v16;
	vm2 =	vgt.s32 v17, $0x0  }
0x59: {  	v17 =	vnsel vm2, $0x0, v17  }
0x5a: {  	v18 =	vsub.f32 v59, v60;
	v17 =	vmin.u32 v17, $0xFFF  }
0x5b: {  	v61 =	vand.u32 $0x1, v16;
	v17 =	vnsel vm1, $0x1, v17  }
0x5c: {  	vm2 =	veq.f32 v18, $5.000000000e-01;
	vm1 =	veq.s32 v61, $0x1;
	v20 =	vor.u32 v0, v17  }
0x5d: {  	vm3 =	vgt.f32 v18, $5.000000000e-01;
	vm1 =	vmand vm2, vm1;
	v62 =	vshll.u32 v20, $0x3  }
0x5e: {  	v17 =	vand.u32 $0x7, v17;
	vm1 =	vmor vm3, vm1;
	v18 =	vand.u32 $0xFFFFFFC0, v62  }
0x5f: {  	v63 =	vsel vm1, $0x1, v11;
	v17 =	vor.u32 v17, v18  }
0x60: {  	v16 =	vadd.s32 v16, v63;
	v18 =	vperm.xlane v17, v6  }
0x61: {  	vm1 =	vgt.s32 v16, $0x0  }
0x62: {  	v16 =	vnsel vm1, $0x0, v16;
	v18 =	vadd.s32 v8, v18  }
0x63: {  	vm1 =	vlt.s32 v2, v14;
	v16 =	vmin.u32 v16, $0xFFF  }
0x64: {  	v16 =	vnsel vm1, $0x1, v16  }
0x65: {  	[tilespmem:$0x100] =	vst v20;
	v16 =	vor.u32 v0, v16  }
0x66: {  	[tilespmem:$0x110] =	vst v16  }
0x67: {  	[tilespmem:s9], [sflag:$0x1] =	stream.indirect_vreg.gather [hbm4b:s1+s4], $0x80, v18, vm0, $0xb8;
	[tilespmem:$0x10A00] =	vst v63  }
0x68: {  	v16 =	vperm.xlane v17, v7  }
0x69: {  	[tilespmem:s20], [sflag:$0x1] =	stream.indirect_vreg.gather [hbm4b:s11+s4], $0x80, v18, vm0, $0xb8;
	[tilespmem:$0x10A00] =	vst v63  }
0x6a: {  	v16 =	vadd.s32 v8, v16  }
0x6b: {  	[tilespmem:s18], [sflag:$0x1] =	stream.indirect_vreg.gather [hbm4b:s12+s4], $0x80, v18, vm0, $0xb8;
	[tilespmem:$0x10A00] =	vst v63  }
0x6c: {  	_ = 	snop  }
0x6d: {  	[tilespmem:s10], [sflag:$0x1] =	stream.indirect_vreg.gather [hbm4b:s13+s4], $0x80, v18, vm0, $0xb8;
	[tilespmem:$0x10A00] =	vst v63  }
0x6e: {  	_ = 	snop  }
0x6f: {  	[tilespmem:s14], [sflag:$0x1] =	stream.indirect_vreg.gather [hbm4b:s1+s4], $0x80, v16, vm0, $0xb8;
	[tilespmem:$0x10A00] =	vst v63  }
0x70: {  	_ = 	snop  }
0x71: {  	[tilespmem:s8], [sflag:$0x1] =	stream.indirect_vreg.gather [hbm4b:s11+s4], $0x80, v16, vm0, $0xb8;
	[tilespmem:$0x10A00] =	vst v63  }
0x72: {  	s6 =	simm.s32 $0x3200  }
0x73: {  	[tilespmem:s6], [sflag:$0x1] =	stream.indirect_vreg.gather [hbm4b:s12+s4], $0x80, v16, vm0, $0xb8;
	[tilespmem:$0x10A00] =	vst v63  }
0x74: {  	s5 =	simm.s32 $0x3A00  }
0x75: {  	[tilespmem:s5], [sflag:$0x1] =	stream.indirect_vreg.gather [hbm4b:s13+s4], $0x80, v16, vm0, $0xb8;
	[tilespmem:$0x10A00] =	vst v63  }
0x76: {  	v16 =	vld [tilespmem:$0x110];
	_ =	sdelay $0x4  }
0x77: {  	v17 =	vshll.u32 v16, $0x3  }
0x78: {  	v16 =	vand.u32 $0x7, v16;
	v17 =	vand.u32 $0xFFFFFFC0, v17  }
0x79: {  	v16 =	vor.u32 v16, v17  }
0x7a: {  	v17 =	vperm.xlane v16, v6;
	_ =	sdelay $0x1  }
0x7b: {  	v17 =	vadd.s32 v8, v17;
	_ =	sdelay $0x3  }
0x7c: {  	s5 =	simm.s32 $0x4200  }
0x7d: {  	[tilespmem:s5], [sflag:$0x1] =	stream.indirect_vreg.gather [hbm4b:s1+s4], $0x80, v17, vm0, $0xb8;
	[tilespmem:$0x10A00] =	vst v63  }
0x7e: {  	v16 =	vperm.xlane v16, v7;
	s5 =	simm.s32 $0x4A00  }
0x7f: {  	[tilespmem:s5], [sflag:$0x1] =	stream.indirect_vreg.gather [hbm4b:s11+s4], $0x80, v17, vm0, $0xb8;
	[tilespmem:$0x10A00] =	vst v63  }
0x80: {  	v16 =	vadd.s32 v8, v16;
	s5 =	simm.s32 $0x5200  }
0x81: {  	[tilespmem:s5], [sflag:$0x1] =	stream.indirect_vreg.gather [hbm4b:s12+s4], $0x80, v17, vm0, $0xb8;
	[tilespmem:$0x10A00] =	vst v63  }
0x82: {  	s5 =	simm.s32 $0x5A00  }
0x83: {  	[tilespmem:s5], [sflag:$0x1] =	stream.indirect_vreg.gather [hbm4b:s13+s4], $0x80, v17, vm0, $0xb8;
	[tilespmem:$0x10A00] =	vst v63  }
0x84: {  	s5 =	simm.s32 $0x6200  }
0x85: {  	[tilespmem:s5], [sflag:$0x1] =	stream.indirect_vreg.gather [hbm4b:s1+s4], $0x80, v16, vm0, $0xb8;
	[tilespmem:$0x10A00] =	vst v63  }
0x86: {  	s5 =	simm.s32 $0x6A00  }
0x87: {  	[tilespmem:s5], [sflag:$0x1] =	stream.indirect_vreg.gather [hbm4b:s11+s4], $0x80, v16, vm0, $0xb8;
	[tilespmem:$0x10A00] =	vst v63  }
0x88: {  	s5 =	simm.s32 $0x7200  }
0x89: {  	[tilespmem:s5], [sflag:$0x1] =	stream.indirect_vreg.gather [hbm4b:s12+s4], $0x80, v16, vm0, $0xb8;
	[tilespmem:$0x10A00] =	vst v63  }
0x8a: {  	s6 =	simm.s32 $0x7A00;
	s5 =	simm.s32 $0x9A00  }
0x8b: {  	[tilespmem:s6], [sflag:$0x1] =	stream.indirect_vreg.gather [hbm4b:s13+s4], $0x80, v16, vm0, $0xb8;
	[tilespmem:$0x10A00] =	vst v63  }
.LBB2_5:
0x8c: {  	p1 =	slt.s32 s17, $0x41  }
.Ltmp4:
0x8d: {  	_ = 	snop;
	(pc) =	sbr.rel @p1 .LBB2_13-.Ltmp4, $1  }
0x8e: {  	_ =	sdelay $0x3  }
0x8f: {  	s14 =	rddreg [dreg:$0xd]  }
0x90: {  	s6 =	sadd.s32 $0xFFFFFFD0, s14  }
0x91: {  	v16 =	vor.u32 s6, v1  }
0x92: {  	v17 =	vcvt.s32.f32 v16;
	_ =	sdelay $0x1  }
0x93: {  	v17 =	vmul.f32 v17, v15;
	_ =	sdelay $0x1  }
0x94: {  	v18 =	vtrunc.f32 v17  }
0x95: {  	v18 =	vcvt.f32.s32 v18  }
0x96: {  	s10 =	sadd.s32 $0xFFFFFFE0, s14  }
0x97: {  	v20 =	vor.u32 s10, v1;
	v19 =	vcvt.s32.f32 v18  }
0x98: {  	v21 =	vcvt.s32.f32 v20  }
0x99: {  	v17 =	vsub.f32 v17, v19  }
0x9a: {  	v21 =	vmul.f32 v21, v15;
	v19 =	vand.u32 $0x1, v18  }
0x9b: {  	vm1 =	veq.s32 v19, $0x1;
	vm2 =	veq.f32 v17, $5.000000000e-01  }
0x9c: {  	vm3 =	vgt.f32 v17, $5.000000000e-01;
	v17 =	vtrunc.f32 v21;
	vm1 =	vmand vm2, vm1  }
0x9d: {  	v17 =	vcvt.f32.s32 v17;
	vm1 =	vmor vm3, vm1  }
0x9e: {  	v19 =	vsel vm1, $0x1, v11  }
0x9f: {  	v18 =	vadd.s32 v18, v19;
	v19 =	vcvt.s32.f32 v17  }
0xa0: {  	vm1 =	vgt.s32 v18, $0x0  }
0xa1: {  	[dreg:$0x11] =	wrdreg s17;
	v18 =	vnsel vm1, $0x0, v18;
	v19 =	vsub.f32 v21, v19  }
0xa2: {  	s17 =	rddreg [dreg:$0x10];
	v62 =	vand.u32 $0x1, v17;
	vm1 =	vlt.s32 v16, v14;
	v18 =	vmin.u32 v18, $0xFFF  }
0xa3: {  	s6 =	smax.u32 s17, $0x2;
	v18 =	vnsel vm1, $0x1, v18;
	vm1 =	veq.s32 v62, $0x1;
	vm2 =	veq.f32 v19, $5.000000000e-01  }
0xa4: {  	s6 =	sadd.s32 $0xFFFFFFFF, s6;
	vm3 =	vgt.f32 v19, $5.000000000e-01;
	v16 =	vor.u32 v0, v18;
	vm1 =	vmand vm2, vm1  }
0xa5: {  	p2 =	sne.s32 s6, $0x1;
	vm1 =	vmor vm3, vm1;
	v19 =	vshll.u32 v16, $0x3  }
.Ltmp5:
0xa6: {  	v18 =	vand.u32 $0x7, v18;
	v63 =	vsel vm1, $0x1, v11;
	v19 =	vand.u32 $0xFFFFFFC0, v19;
	(pc) =	sbr.rel @!p2 .LBB2_7-.Ltmp5, $4  }
0xa7: {  	v21 =	vadd.s32 v17, v63;
	v17 =	vor.u32 v18, v19  }
0xa8: {  	vm1 =	vgt.s32 v21, $0x0;
	v18 =	vperm.xlane v17, v6  }
0xa9: {  	v17 =	vperm.xlane v17, v7;
	v19 =	vnsel vm1, $0x0, v21  }
0xaa: {  	p1 =	por $0x0, $0x0;
	s6 =	sadd.s32 $0xFFFFFFFF, s6;
	vm1 =	vlt.s32 v20, v14;
	v19 =	vmin.u32 v19, $0xFFF;
	v18 =	vadd.s32 v8, v18  }
0xab: {  	_ = 	snop  }
0xac: {  	v19 =	vnsel vm1, $0x1, v19  }
0xad: {  	[tilespmem:$0x180] =	vst v16;
	v19 =	vor.u32 v0, v19  }
0xae: {  	[tilespmem:$0x190] =	vst v19  }
0xaf: {  	[tilespmem:s22], [sflag:$0x2] =	stream.indirect_vreg.gather [hbm4b:s1+s4], $0x80, v18, vm0, $0xb8;
	[tilespmem:$0x10A00] =	vst v63  }
0xb0: {  	_ = 	snop  }
0xb1: {  	[tilespmem:s21], [sflag:$0x2] =	stream.indirect_vreg.gather [hbm4b:s11+s4], $0x80, v18, vm0, $0xb8;
	[tilespmem:$0x10A00] =	vst v63  }
0xb2: {  	v16 =	vadd.s32 v8, v17  }
0xb3: {  	[tilespmem:s15], [sflag:$0x2] =	stream.indirect_vreg.gather [hbm4b:s12+s4], $0x80, v18, vm0, $0xb8;
	[tilespmem:$0x10A00] =	vst v63  }
0xb4: {  	_ = 	snop  }
0xb5: {  	[tilespmem:s5], [sflag:$0x2] =	stream.indirect_vreg.gather [hbm4b:s13+s4], $0x80, v18, vm0, $0xb8;
	[tilespmem:$0x10A00] =	vst v63  }
0xb6: {  	_ = 	snop  }
0xb7: {  	[tilespmem:s24], [sflag:$0x2] =	stream.indirect_vreg.gather [hbm4b:s1+s4], $0x80, v16, vm0, $0xb8;
	[tilespmem:$0x10A00] =	vst v63  }
0xb8: {  	s24 =	simm.s32 $0xAA00  }
0xb9: {  	[tilespmem:s24], [sflag:$0x2] =	stream.indirect_vreg.gather [hbm4b:s11+s4], $0x80, v16, vm0, $0xb8;
	[tilespmem:$0x10A00] =	vst v63  }
0xba: {  	_ = 	snop  }
0xbb: {  	[tilespmem:s0], [sflag:$0x2] =	stream.indirect_vreg.gather [hbm4b:s12+s4], $0x80, v16, vm0, $0xb8;
	[tilespmem:$0x10A00] =	vst v63  }
0xbc: {  	_ = 	snop  }
0xbd: {  	[tilespmem:s16], [sflag:$0x2] =	stream.indirect_vreg.gather [hbm4b:s13+s4], $0x80, v16, vm0, $0xb8;
	[tilespmem:$0x10A00] =	vst v63  }
0xbe: {  	v16 =	vld [tilespmem:$0x190];
	_ =	sdelay $0x4  }
0xbf: {  	v17 =	vshll.u32 v16, $0x3  }
0xc0: {  	v16 =	vand.u32 $0x7, v16;
	v17 =	vand.u32 $0xFFFFFFC0, v17  }
0xc1: {  	s8 =	sadd.s32 $0xFFFFFFF0, s14;
	v16 =	vor.u32 v16, v17  }
0xc2: {  	v18 =	vor.u32 s8, v1;
	v19 =	vperm.xlane v16, v6  }
0xc3: {  	v17 =	vcvt.s32.f32 v18  }
0xc4: {  	v19 =	vadd.s32 v8, v19  }
0xc5: {  	v17 =	vmul.f32 v17, v15;
	_ =	sdelay $0x1  }
0xc6: {  	v20 =	vtrunc.f32 v17  }
0xc7: {  	v20 =	vcvt.f32.s32 v20  }
0xc8: {  	[tilespmem:s25], [sflag:$0x2] =	stream.indirect_vreg.gather [hbm4b:s1+s4], $0x80, v19, vm0, $0xb8;
	[tilespmem:$0x10A00] =	vst v63  }
0xc9: {  	v16 =	vperm.xlane v16, v7;
	v21 =	vcvt.s32.f32 v20  }
0xca: {  	v22 =	vor.u32 s14, v1;
	[tilespmem:s26], [sflag:$0x2] =	stream.indirect_vreg.gather [hbm4b:s11+s4], $0x80, v19, vm0, $0xb8;
	[tilespmem:$0x10A00] =	vst v63  }
0xcb: {  	v58 =	vcvt.s32.f32 v22;
	v16 =	vadd.s32 v8, v16;
	v17 =	vsub.f32 v17, v21  }
0xcc: {  	v23 =	vand.u32 $0x1, v20;
	[tilespmem:s28], [sflag:$0x2] =	stream.indirect_vreg.gather [hbm4b:s12+s4], $0x80, v19, vm0, $0xb8;
	[tilespmem:$0x10A00] =	vst v63  }
0xcd: {  	vm1 =	veq.s32 v23, $0x1;
	v21 =	vmul.f32 v58, v15;
	vm2 =	veq.f32 v17, $5.000000000e-01  }
0xce: {  	vm3 =	vgt.f32 v17, $5.000000000e-01;
	vm1 =	vmand vm2, vm1;
	[tilespmem:s29], [sflag:$0x2] =	stream.indirect_vreg.gather [hbm4b:s13+s4], $0x80, v19, vm0, $0xb8;
	[tilespmem:$0x10A00] =	vst v63  }
0xcf: {  	v17 =	vtrunc.f32 v21;
	vm1 =	vmor vm3, vm1  }
0xd0: {  	v17 =	vcvt.f32.s32 v17;
	v19 =	vsel vm1, $0x1, v11;
	[tilespmem:s30], [sflag:$0x2] =	stream.indirect_vreg.gather [hbm4b:s1+s4], $0x80, v16, vm0, $0xb8;
	[tilespmem:$0x10A00] =	vst v63  }
0xd1: {  	v19 =	vadd.s32 v20, v19  }
0xd2: {  	v20 =	vcvt.s32.f32 v17;
	vm1 =	vgt.s32 v19, $0x0;
	[tilespmem:s31], [sflag:$0x2] =	stream.indirect_vreg.gather [hbm4b:s11+s4], $0x80, v16, vm0, $0xb8;
	[tilespmem:$0x10A00] =	vst v63  }
0xd3: {  	v19 =	vnsel vm1, $0x0, v19  }
0xd4: {  	vm1 =	vlt.s32 v18, v14;
	v18 =	vsub.f32 v21, v20;
	v19 =	vmin.u32 v19, $0xFFF;
	[tilespmem:s2], [sflag:$0x2] =	stream.indirect_vreg.gather [hbm4b:s12+s4], $0x80, v16, vm0, $0xb8;
	[tilespmem:$0x10A00] =	vst v63  }
0xd5: {  	[dreg:$0x12] =	wrdreg s23;
	s0 =	simm.s32 $0xFA00;
	v20 =	vand.u32 $0x1, v17;
	v19 =	vnsel vm1, $0x1, v19  }
0xd6: {  	vm1 =	veq.s32 v20, $0x1;
	vm2 =	veq.f32 v18, $5.000000000e-01;
	v59 =	vor.u32 v0, v19;
	[tilespmem:s0], [sflag:$0x2] =	stream.indirect_vreg.gather [hbm4b:s13+s4], $0x80, v16, vm0, $0xb8;
	[tilespmem:$0x10A00] =	vst v63  }
0xd7: {  	vm3 =	vgt.f32 v18, $5.000000000e-01;
	vm1 =	vmand vm2, vm1;
	v18 =	vshll.u32 v59, $0x3;
	_ =	swait.ge [sflag:s7], $0x8000  }
0xd8: {  	vm1 =	vmor vm3, vm1;
	v16 =	vand.u32 $0x7, v19;
	v18 =	vand.u32 $0xFFFFFFC0, v18;
	s10 =	rddreg [dreg:$0xc]  }
0xd9: {  	v19 =	vsel vm1, $0x1, v11;
	v16 =	vor.u32 v16, v18;
	[sflag:s7] =	ssyncset.done $0x0;
	s5 =	sshrl.u32 s10, $0x3  }
0xda: {  	v17 =	vadd.s32 v17, v19;
	v18 =	vperm.xlane v16, v6;
	[sflag:s7] =	ssyncadd.s32 $0xFFFF8000;
	s8 =	sadd.s32 s3, s5  }
0xdb: {  	vm1 =	vgt.s32 v17, $0x0;
	[hbm4b:s8+s4] =	stream.linear.scatter [tilespmem:s9], [sflag:$0x4], $0x8000, $0x38;
	[tilespmem:$0x10A00] =	vst v63  }
0xdc: {  	v17 =	vnsel vm1, $0x0, v17;
	v18 =	vadd.s32 v8, v18;
	_ =	swait.ge [sflag:s19], $0x8000  }
0xdd: {  	vm1 =	vlt.s32 v22, v14;
	v17 =	vmin.u32 v17, $0xFFF;
	[sflag:s19] =	ssyncset.done $0x0  }
0xde: {  	v17 =	vnsel vm1, $0x1, v17;
	[sflag:s19] =	ssyncadd.s32 $0xFFFF8000  }
0xdf: {  	v17 =	vor.u32 v0, v17;
	[tilespmem:$0x100] =	vst v59  }
0xe0: {  	[tilespmem:$0x110] =	vst v17  }
0xe1: {  	[tilespmem:s9], [sflag:$0x1] =	stream.indirect_vreg.gather [hbm4b:s1+s4], $0x80, v18, vm0, $0xb8;
	[tilespmem:$0x10A00] =	vst v63  }
0xe2: {  	v16 =	vperm.xlane v16, v7  }
0xe3: {  	[tilespmem:s20], [sflag:$0x1] =	stream.indirect_vreg.gather [hbm4b:s11+s4], $0x80, v18, vm0, $0xb8;
	[tilespmem:$0x10A00] =	vst v63  }
0xe4: {  	v16 =	vadd.s32 v8, v16  }
0xe5: {  	[tilespmem:s18], [sflag:$0x1] =	stream.indirect_vreg.gather [hbm4b:s12+s4], $0x80, v18, vm0, $0xb8;
	[tilespmem:$0x10A00] =	vst v63  }
0xe6: {  	s2 =	simm.s32 $0x1A00  }
0xe7: {  	[tilespmem:s2], [sflag:$0x1] =	stream.indirect_vreg.gather [hbm4b:s13+s4], $0x80, v18, vm0, $0xb8;
	[tilespmem:$0x10A00] =	vst v63  }
0xe8: {  	s8 =	simm.s32 $0x2200  }
0xe9: {  	[tilespmem:s8], [sflag:$0x1] =	stream.indirect_vreg.gather [hbm4b:s1+s4], $0x80, v16, vm0, $0xb8;
	[tilespmem:$0x10A00] =	vst v63  }
0xea: {  	s9 =	simm.s32 $0x2A00  }
0xeb: {  	[tilespmem:s9], [sflag:$0x1] =	stream.indirect_vreg.gather [hbm4b:s11+s4], $0x80, v16, vm0, $0xb8;
	[tilespmem:$0x10A00] =	vst v63  }
0xec: {  	s15 =	simm.s32 $0x3200  }
0xed: {  	[tilespmem:s15], [sflag:$0x1] =	stream.indirect_vreg.gather [hbm4b:s12+s4], $0x80, v16, vm0, $0xb8;
	[tilespmem:$0x10A00] =	vst v63  }
0xee: {  	s16 =	simm.s32 $0x3A00  }
0xef: {  	[tilespmem:s16], [sflag:$0x1] =	stream.indirect_vreg.gather [hbm4b:s13+s4], $0x80, v16, vm0, $0xb8;
	[tilespmem:$0x10A00] =	vst v63  }
0xf0: {  	v16 =	vld [tilespmem:$0x110];
	_ =	sdelay $0x4  }
0xf1: {  	s14 =	sadd.s32 $0x40, s14;
	v17 =	vshll.u32 v16, $0x3  }
0xf2: {  	s17 =	sadd.s32 $0xFFFFFFD0, s14;
	v16 =	vand.u32 $0x7, v16;
	v17 =	vand.u32 $0xFFFFFFC0, v17  }
0xf3: {  	v16 =	vor.u32 v16, v17;
	v17 =	vor.u32 s17, v1  }
0xf4: {  	v18 =	vperm.xlane v16, v6;
	v19 =	vcvt.s32.f32 v17;
	_ =	sdelay $0x1  }
0xf5: {  	v18 =	vadd.s32 v8, v18;
	v19 =	vmul.f32 v19, v15;
	_ =	sdelay $0x1  }
0xf6: {  	v20 =	vtrunc.f32 v19  }
0xf7: {  	s23 =	simm.s32 $0x5A00;
	v20 =	vcvt.f32.s32 v20  }
0xf8: {  	p2 =	sne.s32 s6, $0x1;
	s20 =	simm.s32 $0x4200;
	s18 =	sadd.s32 $0xFFFFFFE0, s14  }
0xf9: {  	v61 =	vor.u32 s18, v1;
	[tilespmem:s20], [sflag:$0x1] =	stream.indirect_vreg.gather [hbm4b:s1+s4], $0x80, v18, vm0, $0xb8;
	v60 =	vcvt.s32.f32 v20;
	[tilespmem:$0x10A00] =	vst v63  }
0xfa: {  	p1 =	por $0x1, $0x1;
	s22 =	simm.s32 $0x5200;
	s21 =	simm.s32 $0x4A00;
	v62 =	vcvt.s32.f32 v61;
	v16 =	vperm.xlane v16, v7  }
0xfb: {  	[tilespmem:s21], [sflag:$0x1] =	stream.indirect_vreg.gather [hbm4b:s11+s4], $0x80, v18, vm0, $0xb8;
	v19 =	vsub.f32 v19, v60;
	[tilespmem:$0x10A00] =	vst v63  }
0xfc: {  	s24 =	simm.s32 $0x6200;
	s25 =	simm.s32 $0x6A00;
	s26 =	simm.s32 $0x7200;
	v23 =	vmul.f32 v62, v15;
	v63 =	vadd.s32 v8, v16;
	v16 =	vand.u32 $0x1, v20  }
0xfd: {  	vm1 =	veq.s32 v16, $0x1;
	[tilespmem:s22], [sflag:$0x1] =	stream.indirect_vreg.gather [hbm4b:s12+s4], $0x80, v18, vm0, $0xb8;
	vm2 =	veq.f32 v19, $5.000000000e-01;
	[tilespmem:$0x10A00] =	vst v63  }
0xfe: {  	s28 =	simm.s32 $0xD200;
	s29 =	simm.s32 $0xDA00;
	s30 =	simm.s32 $0xE200;
	v16 =	vtrunc.f32 v23;
	vm3 =	vgt.f32 v19, $5.000000000e-01;
	vm1 =	vmand vm2, vm1  }
0xff: {  	[tilespmem:s23], [sflag:$0x1] =	stream.indirect_vreg.gather [hbm4b:s13+s4], $0x80, v18, vm0, $0xb8;
	vm1 =	vmor vm3, vm1;
	v18 =	vcvt.f32.s32 v16;
	[tilespmem:$0x10A00] =	vst v63  }
0x100: {  	s31 =	simm.s32 $0xEA00;
	s0 =	simm.s32 $0xA00;
	s7 =	simm.s32 $0x8200;
	v16 =	vsel vm1, $0x1, v11  }
0x101: {  	[tilespmem:s24], [sflag:$0x1] =	stream.indirect_vreg.gather [hbm4b:s1+s4], $0x80, v63, vm0, $0xb8;
	v16 =	vadd.s32 v20, v16;
	v19 =	vcvt.s32.f32 v18;
	[tilespmem:$0x10A00] =	vst v63  }
0x102: {  	s5 =	simm.s32 $0x1200;
	s18 =	simm.s32 $0x2;
	s2 =	simm.s32 $0xF200;
	vm1 =	vgt.s32 v16, $0x0  }
0x103: {  	[tilespmem:s25], [sflag:$0x1] =	stream.indirect_vreg.gather [hbm4b:s11+s4], $0x80, v63, vm0, $0xb8;
	v16 =	vnsel vm1, $0x0, v16;
	v19 =	vsub.f32 v23, v19;
	[tilespmem:$0x10A00] =	vst v63  }
0x104: {  	s8 =	sadd.s32 $0xFFFFFFFF, s6;
	s6 =	smov.u32 s10;
	s9 =	simm.s32 $0x1;
	v20 =	vand.u32 $0x1, v18;
	vm1 =	vlt.s32 v17, v14;
	v16 =	vmin.u32 v16, $0xFFF  }
0x105: {  	[tilespmem:s26], [sflag:$0x1] =	stream.indirect_vreg.gather [hbm4b:s12+s4], $0x80, v63, vm0, $0xb8;
	v17 =	vnsel vm1, $0x1, v16;
	vm1 =	veq.s32 v20, $0x1;
	vm2 =	veq.f32 v19, $5.000000000e-01;
	[tilespmem:$0x10A00] =	vst v63  }
0x106: {  	s15 =	simm.s32 $0x9200;
	s16 =	simm.s32 $0x7A00;
	s17 =	simm.s32 $0xA200;
	vm3 =	vgt.f32 v19, $5.000000000e-01;
	v16 =	vor.u32 v0, v17;
	vm1 =	vmand vm2, vm1  }
0x107: {  	[tilespmem:s16], [sflag:$0x1] =	stream.indirect_vreg.gather [hbm4b:s13+s4], $0x80, v63, vm0, $0xb8;
	vm1 =	vmor vm3, vm1;
	v19 =	vshll.u32 v16, $0x3;
	[tilespmem:$0x10A00] =	vst v63  }
.Ltmp6:
0x108: {  	s20 =	simm.s32 $0x200;
	v17 =	vand.u32 $0x7, v17;
	_ =	swait.ge [sflag:s18], $0x8000;
	v20 =	vsel vm1, $0x1, v11;
	v19 =	vand.u32 $0xFFFFFFC0, v19;
	(pc) =	sbr.rel @!p2 .LBB2_9-.Ltmp6, $4  }
0x109: {  	s22 =	simm.s32 $0xFA00;
	s23 =	simm.s32 $0xB200;
	[sflag:s18] =	ssyncset.done $0x0;
	v18 =	vadd.s32 v18, v20;
	v17 =	vor.u32 v17, v19  }
0x10a: {  	s24 =	simm.s32 $0xBA00;
	s21 =	rddreg [dreg:$0xe];
	[sflag:s18] =	ssyncadd.s32 $0xFFFF8000;
	vm1 =	vgt.s32 v18, $0x0;
	v20 =	vperm.xlane v17, v6  }
0x10b: {  	v17 =	vperm.xlane v17, v7;
	[hbm4b:s21+s4] =	stream.linear.scatter [tilespmem:s7], [sflag:$0x4], $0x8000, $0x38;
	v18 =	vnsel vm1, $0x0, v18;
	[tilespmem:$0x10A00] =	vst v63  }
0x10c: {  	s25 =	simm.s32 $0xC200;
	s26 =	simm.s32 $0xCA00;
	vm1 =	vlt.s32 v61, v14;
	v19 =	vmin.u32 v18, $0xFFF;
	v18 =	vadd.s32 v8, v20;
	_ =	swait.ge [sflag:s19], $0x8000  }
.LBB2_10:
0x10d: {  	v19 =	vnsel vm1, $0x1, v19;
	[sflag:s19] =	ssyncset.done $0x0;
	s6 =	sadd.s32 $0x10000, s6;
	s21 =	sadd.s32 $0x2000, s21  }
0x10e: {  	p2 =	sne.s32 s8, $0x1;
	s8 =	sadd.s32 $0xFFFFFFFF, s8;
	v19 =	vor.u32 v0, v19;
	[sflag:s19] =	ssyncadd.s32 $0xFFFF8000  }
0x10f: {  	[tilespmem:$0x190] =	vst v19  }
0x110: {  	[tilespmem:$0x180] =	vst v16  }
0x111: {  	[tilespmem:s7], [sflag:$0x2] =	stream.indirect_vreg.gather [hbm4b:s1+s4], $0x80, v18, vm0, $0xb8;
	[tilespmem:$0x10A00] =	vst v63  }
0x112: {  	s10 =	simm.s32 $0x8A00  }
0x113: {  	[tilespmem:s10], [sflag:$0x2] =	stream.indirect_vreg.gather [hbm4b:s11+s4], $0x80, v18, vm0, $0xb8;
	[tilespmem:$0x10A00] =	vst v63  }
0x114: {  	v16 =	vadd.s32 v8, v17  }
0x115: {  	[tilespmem:s15], [sflag:$0x2] =	stream.indirect_vreg.gather [hbm4b:s12+s4], $0x80, v18, vm0, $0xb8;
	[tilespmem:$0x10A00] =	vst v63  }
0x116: {  	s10 =	simm.s32 $0x9A00  }
0x117: {  	[tilespmem:s10], [sflag:$0x2] =	stream.indirect_vreg.gather [hbm4b:s13+s4], $0x80, v18, vm0, $0xb8;
	[tilespmem:$0x10A00] =	vst v63  }
0x118: {  	_ = 	snop  }
0x119: {  	[tilespmem:s17], [sflag:$0x2] =	stream.indirect_vreg.gather [hbm4b:s1+s4], $0x80, v16, vm0, $0xb8;
	[tilespmem:$0x10A00] =	vst v63  }
0x11a: {  	s10 =	simm.s32 $0xAA00  }
0x11b: {  	[tilespmem:s10], [sflag:$0x2] =	stream.indirect_vreg.gather [hbm4b:s11+s4], $0x80, v16, vm0, $0xb8;
	[tilespmem:$0x10A00] =	vst v63  }
0x11c: {  	_ = 	snop  }
0x11d: {  	[tilespmem:s23], [sflag:$0x2] =	stream.indirect_vreg.gather [hbm4b:s12+s4], $0x80, v16, vm0, $0xb8;
	[tilespmem:$0x10A00] =	vst v63  }
0x11e: {  	_ = 	snop  }
0x11f: {  	[tilespmem:s24], [sflag:$0x2] =	stream.indirect_vreg.gather [hbm4b:s13+s4], $0x80, v16, vm0, $0xb8;
	[tilespmem:$0x10A00] =	vst v63  }
0x120: {  	v16 =	vld [tilespmem:$0x190];
	_ =	sdelay $0x4  }
0x121: {  	s10 =	sadd.s32 $0xFFFFFFF0, s14;
	v17 =	vshll.u32 v16, $0x3  }
0x122: {  	v18 =	vor.u32 s10, v1;
	v16 =	vand.u32 $0x7, v16;
	v17 =	vand.u32 $0xFFFFFFC0, v17  }
0x123: {  	v16 =	vor.u32 v16, v17;
	v17 =	vcvt.s32.f32 v18  }
0x124: {  	v19 =	vperm.xlane v16, v6;
	v16 =	vperm.xlane v16, v7  }
0x125: {  	v17 =	vmul.f32 v17, v15  }
0x126: {  	v19 =	vadd.s32 v8, v19  }
0x127: {  	v20 =	vtrunc.f32 v17  }
0x128: {  	v20 =	vcvt.f32.s32 v20;
	_ =	sdelay $0x1  }
0x129: {  	v21 =	vcvt.s32.f32 v20;
	v22 =	vand.u32 $0x1, v20  }
0x12a: {  	v23 =	vor.u32 s14, v1;
	[tilespmem:s25], [sflag:$0x2] =	stream.indirect_vreg.gather [hbm4b:s1+s4], $0x80, v19, vm0, $0xb8;
	[tilespmem:$0x10A00] =	vst v63  }
0x12b: {  	v17 =	vsub.f32 v17, v21;
	v21 =	vcvt.s32.f32 v23  }
0x12c: {  	vm1 =	veq.s32 v22, $0x1;
	[tilespmem:s26], [sflag:$0x2] =	stream.indirect_vreg.gather [hbm4b:s11+s4], $0x80, v19, vm0, $0xb8;
	[tilespmem:$0x10A00] =	vst v63  }
0x12d: {  	v16 =	vadd.s32 v8, v16;
	vm2 =	veq.f32 v17, $5.000000000e-01;
	v21 =	vmul.f32 v21, v15  }
0x12e: {  	vm3 =	vgt.f32 v17, $5.000000000e-01;
	[tilespmem:s28], [sflag:$0x2] =	stream.indirect_vreg.gather [hbm4b:s12+s4], $0x80, v19, vm0, $0xb8;
	vm1 =	vmand vm2, vm1;
	[tilespmem:$0x10A00] =	vst v63  }
0x12f: {  	vm1 =	vmor vm3, vm1;
	v17 =	vtrunc.f32 v21  }
0x130: {  	[tilespmem:s29], [sflag:$0x2] =	stream.indirect_vreg.gather [hbm4b:s13+s4], $0x80, v19, vm0, $0xb8;
	v19 =	vsel vm1, $0x1, v11;
	v17 =	vcvt.f32.s32 v17;
	[tilespmem:$0x10A00] =	vst v63  }
0x131: {  	v19 =	vadd.s32 v20, v19  }
0x132: {  	[tilespmem:s30], [sflag:$0x2] =	stream.indirect_vreg.gather [hbm4b:s1+s4], $0x80, v16, vm0, $0xb8;
	vm1 =	vgt.s32 v19, $0x0;
	v20 =	vcvt.s32.f32 v17;
	v22 =	vand.u32 $0x1, v17;
	[tilespmem:$0x10A00] =	vst v63  }
0x133: {  	v19 =	vnsel vm1, $0x0, v19  }
0x134: {  	vm1 =	vlt.s32 v18, v14;
	[tilespmem:s31], [sflag:$0x2] =	stream.indirect_vreg.gather [hbm4b:s11+s4], $0x80, v16, vm0, $0xb8;
	v19 =	vmin.u32 v19, $0xFFF;
	v18 =	vsub.f32 v21, v20;
	[tilespmem:$0x10A00] =	vst v63  }
0x135: {  	v19 =	vnsel vm1, $0x1, v19  }
0x136: {  	vm1 =	veq.s32 v22, $0x1;
	[tilespmem:s2], [sflag:$0x2] =	stream.indirect_vreg.gather [hbm4b:s12+s4], $0x80, v16, vm0, $0xb8;
	v20 =	vor.u32 v0, v19;
	vm2 =	veq.f32 v18, $5.000000000e-01;
	[tilespmem:$0x10A00] =	vst v63  }
0x137: {  	vm3 =	vgt.f32 v18, $5.000000000e-01;
	vm1 =	vmand vm2, vm1;
	v18 =	vshll.u32 v20, $0x3  }
0x138: {  	[tilespmem:s22], [sflag:$0x2] =	stream.indirect_vreg.gather [hbm4b:s13+s4], $0x80, v16, vm0, $0xb8;
	vm1 =	vmor vm3, vm1;
	v16 =	vand.u32 $0x7, v19;
	v18 =	vand.u32 $0xFFFFFFC0, v18;
	[tilespmem:$0x10A00] =	vst v63  }
0x139: {  	_ =	swait.ge [sflag:s9], $0x8000;
	v19 =	vsel vm1, $0x1, v11;
	v16 =	vor.u32 v16, v18  }
0x13a: {  	s10 =	sshrl.u32 s6, $0x3;
	[sflag:s9] =	ssyncset.done $0x0;
	v17 =	vadd.s32 v17, v19;
	v18 =	vperm.xlane v16, v6;
	v16 =	vperm.xlane v16, v7  }
0x13b: {  	s10 =	sadd.s32 s3, s10;
	[sflag:s9] =	ssyncadd.s32 $0xFFFF8000;
	vm1 =	vgt.s32 v17, $0x0  }
0x13c: {  	[hbm4b:s10+s4] =	stream.linear.scatter [tilespmem:s20], [sflag:$0x4], $0x8000, $0x38;
	v17 =	vnsel vm1, $0x0, v17;
	v18 =	vadd.s32 v8, v18;
	[tilespmem:$0x10A00] =	vst v63  }
0x13d: {  	vm1 =	vlt.s32 v23, v14;
	_ =	swait.ge [sflag:s19], $0x8000;
	v17 =	vmin.u32 v17, $0xFFF  }
0x13e: {  	[sflag:s19] =	ssyncset.done $0x0;
	v17 =	vnsel vm1, $0x1, v17  }
0x13f: {  	[sflag:s19] =	ssyncadd.s32 $0xFFFF8000;
	v17 =	vor.u32 v0, v17  }
0x140: {  	[tilespmem:$0x100] =	vst v20  }
0x141: {  	[tilespmem:$0x110] =	vst v17  }
0x142: {  	[tilespmem:s20], [sflag:$0x1] =	stream.indirect_vreg.gather [hbm4b:s1+s4], $0x80, v18, vm0, $0xb8;
	[tilespmem:$0x10A00] =	vst v63  }
0x143: {  	_ = 	snop  }
0x144: {  	v16 =	vadd.s32 v8, v16;
	[tilespmem:s0], [sflag:$0x1] =	stream.indirect_vreg.gather [hbm4b:s11+s4], $0x80, v18, vm0, $0xb8;
	[tilespmem:$0x10A00] =	vst v63  }
0x145: {  	_ = 	snop  }
0x146: {  	[tilespmem:s5], [sflag:$0x1] =	stream.indirect_vreg.gather [hbm4b:s12+s4], $0x80, v18, vm0, $0xb8;
	[tilespmem:$0x10A00] =	vst v63  }
0x147: {  	s10 =	simm.s32 $0x1A00  }
0x148: {  	[tilespmem:s10], [sflag:$0x1] =	stream.indirect_vreg.gather [hbm4b:s13+s4], $0x80, v18, vm0, $0xb8;
	[tilespmem:$0x10A00] =	vst v63  }
0x149: {  	s10 =	simm.s32 $0x2200  }
0x14a: {  	[tilespmem:s10], [sflag:$0x1] =	stream.indirect_vreg.gather [hbm4b:s1+s4], $0x80, v16, vm0, $0xb8;
	[tilespmem:$0x10A00] =	vst v63  }
0x14b: {  	s10 =	simm.s32 $0x2A00  }
0x14c: {  	[tilespmem:s10], [sflag:$0x1] =	stream.indirect_vreg.gather [hbm4b:s11+s4], $0x80, v16, vm0, $0xb8;
	[tilespmem:$0x10A00] =	vst v63  }
0x14d: {  	s10 =	simm.s32 $0x3200  }
0x14e: {  	[tilespmem:s10], [sflag:$0x1] =	stream.indirect_vreg.gather [hbm4b:s12+s4], $0x80, v16, vm0, $0xb8;
	[tilespmem:$0x10A00] =	vst v63  }
0x14f: {  	s10 =	simm.s32 $0x3A00  }
0x150: {  	[tilespmem:s10], [sflag:$0x1] =	stream.indirect_vreg.gather [hbm4b:s13+s4], $0x80, v16, vm0, $0xb8;
	[tilespmem:$0x10A00] =	vst v63  }
0x151: {  	v16 =	vld [tilespmem:$0x110];
	_ =	sdelay $0x4  }
0x152: {  	s14 =	sadd.s32 $0x40, s14;
	v17 =	vand.u32 $0x7, v16;
	v16 =	vshll.u32 v16, $0x3  }
0x153: {  	s10 =	sadd.s32 $0xFFFFFFD0, s14;
	v16 =	vand.u32 $0xFFFFFFC0, v16  }
0x154: {  	v18 =	vor.u32 s10, v1;
	v16 =	vor.u32 v17, v16  }
0x155: {  	v17 =	vcvt.s32.f32 v18;
	v19 =	vperm.xlane v16, v6  }
0x156: {  	v16 =	vperm.xlane v16, v7  }
0x157: {  	v17 =	vmul.f32 v17, v15;
	v19 =	vadd.s32 v8, v19;
	_ =	sdelay $0x1  }
0x158: {  	v20 =	vtrunc.f32 v17  }
0x159: {  	s10 =	sadd.s32 $0xFFFFFFE0, s14;
	v20 =	vcvt.f32.s32 v20  }
0x15a: {  	v23 =	vor.u32 s10, v1;
	s10 =	simm.s32 $0x4200  }
0x15b: {  	v21 =	vcvt.s32.f32 v20;
	v22 =	vand.u32 $0x1, v20;
	[tilespmem:s10], [sflag:$0x1] =	stream.indirect_vreg.gather [hbm4b:s1+s4], $0x80, v19, vm0, $0xb8;
	[tilespmem:$0x10A00] =	vst v63  }
0x15c: {  	v24 =	vcvt.s32.f32 v23;
	s10 =	simm.s32 $0x4A00  }
0x15d: {  	v17 =	vsub.f32 v17, v21;
	v21 =	vadd.s32 v8, v16;
	[tilespmem:s10], [sflag:$0x1] =	stream.indirect_vreg.gather [hbm4b:s11+s4], $0x80, v19, vm0, $0xb8;
	[tilespmem:$0x10A00] =	vst v63  }
0x15e: {  	v16 =	vmul.f32 v24, v15;
	s10 =	simm.s32 $0x5200  }
0x15f: {  	vm1 =	veq.s32 v22, $0x1;
	vm2 =	veq.f32 v17, $5.000000000e-01;
	[tilespmem:s10], [sflag:$0x1] =	stream.indirect_vreg.gather [hbm4b:s12+s4], $0x80, v19, vm0, $0xb8;
	[tilespmem:$0x10A00] =	vst v63  }
0x160: {  	vm3 =	vgt.f32 v17, $5.000000000e-01;
	v17 =	vtrunc.f32 v16;
	vm1 =	vmand vm2, vm1;
	s10 =	simm.s32 $0x5A00  }
0x161: {  	v17 =	vcvt.f32.s32 v17;
	vm1 =	vmor vm3, vm1;
	[tilespmem:s10], [sflag:$0x1] =	stream.indirect_vreg.gather [hbm4b:s13+s4], $0x80, v19, vm0, $0xb8;
	[tilespmem:$0x10A00] =	vst v63  }
0x162: {  	v19 =	vsel vm1, $0x1, v11;
	s10 =	simm.s32 $0x6200  }
0x163: {  	v22 =	vand.u32 $0x1, v17;
	v19 =	vadd.s32 v20, v19;
	v20 =	vcvt.s32.f32 v17;
	[tilespmem:s10], [sflag:$0x1] =	stream.indirect_vreg.gather [hbm4b:s1+s4], $0x80, v21, vm0, $0xb8;
	[tilespmem:$0x10A00] =	vst v63  }
0x164: {  	vm1 =	vgt.s32 v19, $0x0;
	s10 =	simm.s32 $0x6A00  }
0x165: {  	v19 =	vnsel vm1, $0x0, v19;
	v20 =	vsub.f32 v16, v20;
	[tilespmem:s10], [sflag:$0x1] =	stream.indirect_vreg.gather [hbm4b:s11+s4], $0x80, v21, vm0, $0xb8;
	[tilespmem:$0x10A00] =	vst v63  }
0x166: {  	vm1 =	vlt.s32 v18, v14;
	v16 =	vmin.u32 v19, $0xFFF;
	s10 =	simm.s32 $0x7200  }
0x167: {  	v18 =	vnsel vm1, $0x1, v16;
	vm1 =	veq.s32 v22, $0x1;
	vm2 =	veq.f32 v20, $5.000000000e-01;
	[tilespmem:s10], [sflag:$0x1] =	stream.indirect_vreg.gather [hbm4b:s12+s4], $0x80, v21, vm0, $0xb8;
	[tilespmem:$0x10A00] =	vst v63  }
0x168: {  	vm3 =	vgt.f32 v20, $5.000000000e-01;
	v16 =	vor.u32 v0, v18;
	vm1 =	vmand vm2, vm1  }
0x169: {  	vm1 =	vmor vm3, vm1;
	v19 =	vshll.u32 v16, $0x3;
	[tilespmem:s16], [sflag:$0x1] =	stream.indirect_vreg.gather [hbm4b:s13+s4], $0x80, v21, vm0, $0xb8;
	[tilespmem:$0x10A00] =	vst v63  }
.Ltmp7:
0x16a: {  	v18 =	vand.u32 $0x7, v18;
	v20 =	vsel vm1, $0x1, v11;
	v19 =	vand.u32 $0xFFFFFFC0, v19;
	_ =	swait.ge [sflag:s18], $0x8000;
	(pc) =	sbr.rel @p2 .LBB2_10-.Ltmp7, $4  }
0x16b: {  	v20 =	vadd.s32 v17, v20;
	v17 =	vor.u32 v18, v19;
	[sflag:s18] =	ssyncset.done $0x0  }
0x16c: {  	vm1 =	vgt.s32 v20, $0x0;
	v18 =	vperm.xlane v17, v6;
	v17 =	vperm.xlane v17, v7;
	[sflag:s18] =	ssyncadd.s32 $0xFFFF8000  }
0x16d: {  	v19 =	vnsel vm1, $0x0, v20;
	[hbm4b:s21+s4] =	stream.linear.scatter [tilespmem:s7], [sflag:$0x4], $0x8000, $0x38;
	[tilespmem:$0x10A00] =	vst v63  }
0x16e: {  	vm1 =	vlt.s32 v23, v14;
	v19 =	vmin.u32 v19, $0xFFF;
	v18 =	vadd.s32 v8, v18;
	_ =	swait.ge [sflag:s19], $0x8000  }
0x16f: {  	s0 =	simm.s32 $0x9200;
	s22 =	simm.s32 $0x9A00  }
0x170: {  	s25 =	simm.s32 $0xA200;
	s16 =	simm.s32 $0xAA00;
	s20 =	simm.s32 $0xB200  }
0x171: {  	s5 =	simm.s32 $0xBA00;
	s24 =	simm.s32 $0xC200;
	s28 =	simm.s32 $0xCA00  }
0x172: {  	s26 =	simm.s32 $0xD200;
	s30 =	simm.s32 $0xDA00;
	s29 =	simm.s32 $0xE200  }
0x173: {  	s2 =	simm.s32 $0xEA00;
	s31 =	simm.s32 $0xF200;
	s17 =	simm.s32 $0xFA00  }
0x174: {  	s10 =	simm.s32 $0x8200;
	s7 =	simm.s32 $0x1;
	s9 =	simm.s32 $0x200  }
0x175: {  	s18 =	simm.s32 $0xA00;
	s15 =	simm.s32 $0x1200;
	s23 =	rddreg [dreg:$0x12]  }
.LBB2_12:
0x176: {  	v19 =	vnsel vm1, $0x1, v19;
	[sflag:s19] =	ssyncset.done @p1 $0x0  }
0x177: {  	v19 =	vor.u32 v0, v19;
	[sflag:s19] =	ssyncadd.s32 @p1 $0xFFFF8000  }
0x178: {  	[tilespmem:$0x190] =	vst v19  }
0x179: {  	[tilespmem:$0x180] =	vst v16  }
0x17a: {  	[tilespmem:s10], [sflag:$0x2] =	stream.indirect_vreg.gather [hbm4b:s1+s4], $0x80, v18, vm0, $0xb8;
	[tilespmem:$0x10A00] =	vst v63  }
0x17b: {  	s8 =	simm.s32 $0x8A00  }
0x17c: {  	[tilespmem:s8], [sflag:$0x2] =	stream.indirect_vreg.gather [hbm4b:s11+s4], $0x80, v18, vm0, $0xb8;
	[tilespmem:$0x10A00] =	vst v63  }
0x17d: {  	v16 =	vadd.s32 v8, v17  }
0x17e: {  	[tilespmem:s0], [sflag:$0x2] =	stream.indirect_vreg.gather [hbm4b:s12+s4], $0x80, v18, vm0, $0xb8;
	[tilespmem:$0x10A00] =	vst v63  }
0x17f: {  	_ = 	snop  }
0x180: {  	[tilespmem:s22], [sflag:$0x2] =	stream.indirect_vreg.gather [hbm4b:s13+s4], $0x80, v18, vm0, $0xb8;
	[tilespmem:$0x10A00] =	vst v63  }
0x181: {  	_ = 	snop  }
0x182: {  	[tilespmem:s25], [sflag:$0x2] =	stream.indirect_vreg.gather [hbm4b:s1+s4], $0x80, v16, vm0, $0xb8;
	[tilespmem:$0x10A00] =	vst v63  }
0x183: {  	_ = 	snop  }
0x184: {  	[tilespmem:s16], [sflag:$0x2] =	stream.indirect_vreg.gather [hbm4b:s11+s4], $0x80, v16, vm0, $0xb8;
	[tilespmem:$0x10A00] =	vst v63  }
0x185: {  	_ = 	snop  }
0x186: {  	[tilespmem:s20], [sflag:$0x2] =	stream.indirect_vreg.gather [hbm4b:s12+s4], $0x80, v16, vm0, $0xb8;
	[tilespmem:$0x10A00] =	vst v63  }
0x187: {  	_ = 	snop  }
0x188: {  	[tilespmem:s5], [sflag:$0x2] =	stream.indirect_vreg.gather [hbm4b:s13+s4], $0x80, v16, vm0, $0xb8;
	[tilespmem:$0x10A00] =	vst v63  }
0x189: {  	v16 =	vld [tilespmem:$0x190];
	_ =	sdelay $0x4  }
0x18a: {  	v17 =	vshll.u32 v16, $0x3  }
0x18b: {  	s5 =	sadd.s32 $0xFFFFFFF0, s14;
	v16 =	vand.u32 $0x7, v16;
	v17 =	vand.u32 $0xFFFFFFC0, v17  }
0x18c: {  	v54 =	vor.u32 s5, v1;
	v16 =	vor.u32 v16, v17  }
0x18d: {  	v17 =	vcvt.s32.f32 v54;
	v55 =	vperm.xlane v16, v6;
	_ =	sdelay $0x1  }
0x18e: {  	v17 =	vmul.f32 v17, v15;
	v19 =	vadd.s32 v8, v55;
	_ =	sdelay $0x1  }
0x18f: {  	v20 =	vtrunc.f32 v17  }
0x190: {  	v20 =	vcvt.f32.s32 v20;
	_ =	sdelay $0x1  }
0x191: {  	v21 =	vcvt.s32.f32 v20;
	[tilespmem:s24], [sflag:$0x2] =	stream.indirect_vreg.gather [hbm4b:s1+s4], $0x80, v19, vm0, $0xb8;
	[tilespmem:$0x10A00] =	vst v63  }
0x192: {  	v22 =	vor.u32 s14, v1;
	v16 =	vperm.xlane v16, v7  }
0x193: {  	v56 =	vcvt.s32.f32 v22;
	v17 =	vsub.f32 v17, v21;
	[tilespmem:s28], [sflag:$0x2] =	stream.indirect_vreg.gather [hbm4b:s11+s4], $0x80, v19, vm0, $0xb8;
	[tilespmem:$0x10A00] =	vst v63  }
0x194: {  	v16 =	vadd.s32 v8, v16;
	v23 =	vand.u32 $0x1, v20  }
0x195: {  	vm1 =	veq.s32 v23, $0x1;
	v21 =	vmul.f32 v56, v15;
	vm2 =	veq.f32 v17, $5.000000000e-01;
	[tilespmem:s26], [sflag:$0x2] =	stream.indirect_vreg.gather [hbm4b:s12+s4], $0x80, v19, vm0, $0xb8;
	[tilespmem:$0x10A00] =	vst v63  }
0x196: {  	vm3 =	vgt.f32 v17, $5.000000000e-01;
	vm1 =	vmand vm2, vm1  }
0x197: {  	v17 =	vtrunc.f32 v21;
	vm1 =	vmor vm3, vm1;
	[tilespmem:s30], [sflag:$0x2] =	stream.indirect_vreg.gather [hbm4b:s13+s4], $0x80, v19, vm0, $0xb8;
	[tilespmem:$0x10A00] =	vst v63  }
0x198: {  	v17 =	vcvt.f32.s32 v17;
	v57 =	vsel vm1, $0x1, v11  }
0x199: {  	v19 =	vadd.s32 v20, v57;
	[tilespmem:s29], [sflag:$0x2] =	stream.indirect_vreg.gather [hbm4b:s1+s4], $0x80, v16, vm0, $0xb8;
	[tilespmem:$0x10A00] =	vst v63  }
0x19a: {  	v58 =	vcvt.s32.f32 v17;
	vm1 =	vgt.s32 v19, $0x0  }
0x19b: {  	v19 =	vnsel vm1, $0x0, v19;
	[tilespmem:s2], [sflag:$0x2] =	stream.indirect_vreg.gather [hbm4b:s11+s4], $0x80, v16, vm0, $0xb8;
	[tilespmem:$0x10A00] =	vst v63  }
0x19c: {  	v59 =	vsub.f32 v21, v58;
	vm1 =	vlt.s32 v54, v14;
	v19 =	vmin.u32 v19, $0xFFF  }
0x19d: {  	v60 =	vand.u32 $0x1, v17;
	v19 =	vnsel vm1, $0x1, v19;
	[tilespmem:s31], [sflag:$0x2] =	stream.indirect_vreg.gather [hbm4b:s12+s4], $0x80, v16, vm0, $0xb8;
	[tilespmem:$0x10A00] =	vst v63  }
0x19e: {  	s6 =	sadd.s32 @p1 $0x10000, s6;
	s8 =	rddreg [dreg:$0xc];
	vm2 =	veq.f32 v59, $5.000000000e-01;
	vm1 =	veq.s32 v60, $0x1;
	v61 =	vor.u32 v0, v19  }
0x19f: {  	vm3 =	vgt.f32 v59, $5.000000000e-01;
	vm1 =	vmand vm2, vm1;
	v62 =	vshll.u32 v61, $0x3;
	[tilespmem:s17], [sflag:$0x2] =	stream.indirect_vreg.gather [hbm4b:s13+s4], $0x80, v16, vm0, $0xb8;
	[tilespmem:$0x10A00] =	vst v63  }
0x1a0: {  	s8 =	smov.u32 @p1 s6;
	vm1 =	vmor vm3, vm1;
	v16 =	vand.u32 $0x7, v19;
	v18 =	vand.u32 $0xFFFFFFC0, v62;
	_ =	swait.ge [sflag:s7], $0x8000  }
0x1a1: {  	s6 =	sshrl.u32 s8, $0x3;
	v63 =	vsel vm1, $0x1, v11;
	v16 =	vor.u32 v16, v18;
	[sflag:s7] =	ssyncset.done $0x0  }
0x1a2: {  	s6 =	sadd.s32 s3, s6;
	v17 =	vadd.s32 v17, v63;
	v18 =	vperm.xlane v16, v6;
	[sflag:s7] =	ssyncadd.s32 $0xFFFF8000  }
0x1a3: {  	vm1 =	vgt.s32 v17, $0x0;
	[hbm4b:s6+s4] =	stream.linear.scatter [tilespmem:s9], [sflag:$0x4], $0x8000, $0x38;
	[tilespmem:$0x10A00] =	vst v63  }
0x1a4: {  	v17 =	vnsel vm1, $0x0, v17;
	v18 =	vadd.s32 v8, v18;
	_ =	swait.ge [sflag:s19], $0x8000  }
0x1a5: {  	vm1 =	vlt.s32 v22, v14;
	v17 =	vmin.u32 v17, $0xFFF;
	[sflag:s19] =	ssyncset.done $0x0  }
0x1a6: {  	v17 =	vnsel vm1, $0x1, v17;
	[sflag:s19] =	ssyncadd.s32 $0xFFFF8000  }
0x1a7: {  	v17 =	vor.u32 v0, v17;
	[tilespmem:$0x100] =	vst v61  }
0x1a8: {  	[tilespmem:$0x110] =	vst v17  }
0x1a9: {  	[tilespmem:s9], [sflag:$0x1] =	stream.indirect_vreg.gather [hbm4b:s1+s4], $0x80, v18, vm0, $0xb8;
	[tilespmem:$0x10A00] =	vst v63  }
0x1aa: {  	v16 =	vperm.xlane v16, v7  }
0x1ab: {  	[tilespmem:s18], [sflag:$0x1] =	stream.indirect_vreg.gather [hbm4b:s11+s4], $0x80, v18, vm0, $0xb8;
	[tilespmem:$0x10A00] =	vst v63  }
0x1ac: {  	v16 =	vadd.s32 v8, v16  }
0x1ad: {  	[tilespmem:s15], [sflag:$0x1] =	stream.indirect_vreg.gather [hbm4b:s12+s4], $0x80, v18, vm0, $0xb8;
	[tilespmem:$0x10A00] =	vst v63  }
0x1ae: {  	s20 =	simm.s32 $0x1A00  }
0x1af: {  	[tilespmem:s20], [sflag:$0x1] =	stream.indirect_vreg.gather [hbm4b:s13+s4], $0x80, v18, vm0, $0xb8;
	[tilespmem:$0x10A00] =	vst v63  }
0x1b0: {  	s14 =	simm.s32 $0x2200  }
0x1b1: {  	[tilespmem:s14], [sflag:$0x1] =	stream.indirect_vreg.gather [hbm4b:s1+s4], $0x80, v16, vm0, $0xb8;
	[tilespmem:$0x10A00] =	vst v63  }
0x1b2: {  	s22 =	simm.s32 $0x2A00  }
0x1b3: {  	[tilespmem:s22], [sflag:$0x1] =	stream.indirect_vreg.gather [hbm4b:s11+s4], $0x80, v16, vm0, $0xb8;
	[tilespmem:$0x10A00] =	vst v63  }
0x1b4: {  	s24 =	simm.s32 $0x3200  }
0x1b5: {  	[tilespmem:s24], [sflag:$0x1] =	stream.indirect_vreg.gather [hbm4b:s12+s4], $0x80, v16, vm0, $0xb8;
	[tilespmem:$0x10A00] =	vst v63  }
0x1b6: {  	s26 =	simm.s32 $0x3A00  }
0x1b7: {  	[tilespmem:s26], [sflag:$0x1] =	stream.indirect_vreg.gather [hbm4b:s13+s4], $0x80, v16, vm0, $0xb8;
	[tilespmem:$0x10A00] =	vst v63  }
0x1b8: {  	v16 =	vld [tilespmem:$0x110];
	_ =	sdelay $0x4  }
0x1b9: {  	v17 =	vshll.u32 v16, $0x3  }
0x1ba: {  	v16 =	vand.u32 $0x7, v16;
	v17 =	vand.u32 $0xFFFFFFC0, v17  }
0x1bb: {  	v16 =	vor.u32 v16, v17  }
0x1bc: {  	v17 =	vperm.xlane v16, v6;
	_ =	sdelay $0x1  }
0x1bd: {  	v17 =	vadd.s32 v8, v17;
	_ =	sdelay $0x3  }
0x1be: {  	s5 =	simm.s32 $0x4200  }
0x1bf: {  	[tilespmem:s5], [sflag:$0x1] =	stream.indirect_vreg.gather [hbm4b:s1+s4], $0x80, v17, vm0, $0xb8;
	[tilespmem:$0x10A00] =	vst v63  }
0x1c0: {  	s8 =	simm.s32 $0x4A00;
	v16 =	vperm.xlane v16, v7  }
0x1c1: {  	[tilespmem:s8], [sflag:$0x1] =	stream.indirect_vreg.gather [hbm4b:s11+s4], $0x80, v17, vm0, $0xb8;
	[tilespmem:$0x10A00] =	vst v63  }
0x1c2: {  	s0 =	simm.s32 $0xB200;
	s15 =	simm.s32 $0x5200;
	v16 =	vadd.s32 v8, v16  }
0x1c3: {  	[tilespmem:s15], [sflag:$0x1] =	stream.indirect_vreg.gather [hbm4b:s12+s4], $0x80, v17, vm0, $0xb8;
	[tilespmem:$0x10A00] =	vst v63  }
0x1c4: {  	s25 =	simm.s32 $0xC200;
	s16 =	simm.s32 $0xBA00;
	s17 =	simm.s32 $0x5A00  }
0x1c5: {  	[tilespmem:s17], [sflag:$0x1] =	stream.indirect_vreg.gather [hbm4b:s13+s4], $0x80, v17, vm0, $0xb8;
	[tilespmem:$0x10A00] =	vst v63  }
0x1c6: {  	s28 =	simm.s32 $0xD200;
	s30 =	simm.s32 $0xE200;
	s18 =	simm.s32 $0x6200  }
0x1c7: {  	[tilespmem:s18], [sflag:$0x1] =	stream.indirect_vreg.gather [hbm4b:s1+s4], $0x80, v16, vm0, $0xb8;
	[tilespmem:$0x10A00] =	vst v63  }
0x1c8: {  	s29 =	simm.s32 $0xDA00;
	s2 =	simm.s32 $0xF200;
	s20 =	simm.s32 $0x6A00  }
0x1c9: {  	[tilespmem:s20], [sflag:$0x1] =	stream.indirect_vreg.gather [hbm4b:s11+s4], $0x80, v16, vm0, $0xb8;
	[tilespmem:$0x10A00] =	vst v63  }
0x1ca: {  	s31 =	simm.s32 $0xEA00;
	s6 =	sadd.s32 @p1 $0x2000, s21;
	s22 =	simm.s32 $0x7200  }
0x1cb: {  	[tilespmem:s22], [sflag:$0x1] =	stream.indirect_vreg.gather [hbm4b:s12+s4], $0x80, v16, vm0, $0xb8;
	[tilespmem:$0x10A00] =	vst v63  }
0x1cc: {  	s21 =	simm.s32 $0x8A00;
	s24 =	simm.s32 $0x7A00;
	s26 =	simm.s32 $0x2  }
0x1cd: {  	[tilespmem:s24], [sflag:$0x1] =	stream.indirect_vreg.gather [hbm4b:s13+s4], $0x80, v16, vm0, $0xb8;
	[tilespmem:$0x10A00] =	vst v63  }
0x1ce: {  	s5 =	simm.s32 $0x9A00;
	s15 =	simm.s32 $0x9200;
	_ =	swait.ge [sflag:s26], $0x8000  }
0x1cf: {  	s18 =	simm.s32 $0x1200;
	[sflag:s26] =	ssyncset.done $0x0;
	s8 =	rddreg [dreg:$0xe]  }
0x1d0: {  	s20 =	simm.s32 $0xA00;
	s8 =	smov.u32 @p1 s6;
	[sflag:s26] =	ssyncadd.s32 $0xFFFF8000  }
0x1d1: {  	[hbm4b:s8+s4] =	stream.linear.scatter [tilespmem:s10], [sflag:$0x4], $0x8000, $0x38;
	[tilespmem:$0x10A00] =	vst v63  }
0x1d2: {  	s22 =	simm.s32 $0x8200;
	s24 =	simm.s32 $0xA200;
	_ =	swait.ge [sflag:s19], $0x8000  }
0x1d3: {  	s26 =	simm.s32 $0xCA00;
	s8 =	simm.s32 $0x2A00;
	[sflag:s19] =	ssyncset.done $0x0  }
0x1d4: {  	s10 =	simm.s32 $0x1A00;
	s17 =	rddreg [dreg:$0x11];
	[sflag:s19] =	ssyncadd.s32 $0xFFFF8000  }
.LBB2_13:
.Ltmp8:
0x1d5: {  	(pc) =	sbr.rel @p0 .LBB2_15-.Ltmp8, $2  }
0x1d6: {  	_ =	sdelay $0x2  }
0x1d7: {  	s23 =	sand.u32 $0x1FE, s23  }
0x1d8: {  	s14 =	sshll.u32 s23, $0x5  }
0x1d9: {  	s6 =	rddreg [dreg:$0x5];
	s8 =	sadd.s32 $0xFFFFFFE0, s14  }
0x1da: {  	s6 =	sadd.s32 s6, s8  }
0x1db: {  	v16 =	vor.u32 s6, v1  }
0x1dc: {  	v17 =	vcvt.s32.f32 v16;
	_ =	sdelay $0x1  }
0x1dd: {  	v17 =	vmul.f32 v17, v15;
	_ =	sdelay $0x1  }
0x1de: {  	v18 =	vtrunc.f32 v17  }
0x1df: {  	v18 =	vcvt.f32.s32 v18;
	_ =	sdelay $0x1  }
0x1e0: {  	s6 =	sor.u32 $0x10, s6;
	v19 =	vcvt.s32.f32 v18  }
0x1e1: {  	v20 =	vor.u32 s6, v1  }
0x1e2: {  	v55 =	vcvt.s32.f32 v20;
	v17 =	vsub.f32 v17, v19  }
0x1e3: {  	v21 =	vand.u32 $0x1, v18  }
0x1e4: {  	v15 =	vmul.f32 v55, v15;
	vm1 =	veq.s32 v21, $0x1;
	vm2 =	veq.f32 v17, $5.000000000e-01  }
0x1e5: {  	vm3 =	vgt.f32 v17, $5.000000000e-01;
	vm1 =	vmand vm2, vm1  }
0x1e6: {  	v56 =	vtrunc.f32 v15;
	vm1 =	vmor vm3, vm1  }
0x1e7: {  	v17 =	vcvt.f32.s32 v56;
	v57 =	vsel vm1, $0x1, v11  }
0x1e8: {  	v18 =	vadd.s32 v18, v57  }
0x1e9: {  	v58 =	vcvt.s32.f32 v17;
	vm1 =	vgt.s32 v18, $0x0  }
0x1ea: {  	v18 =	vnsel vm1, $0x0, v18  }
0x1eb: {  	v15 =	vsub.f32 v15, v58;
	vm1 =	vlt.s32 v16, v14;
	v18 =	vmin.u32 v18, $0xFFF  }
0x1ec: {  	v59 =	vand.u32 $0x1, v17;
	v16 =	vnsel vm1, $0x1, v18  }
0x1ed: {  	vm2 =	veq.f32 v15, $5.000000000e-01;
	vm1 =	veq.s32 v59, $0x1;
	v60 =	vor.u32 v0, v16  }
0x1ee: {  	vm3 =	vgt.f32 v15, $5.000000000e-01;
	vm1 =	vmand vm2, vm1;
	v15 =	vshll.u32 v60, $0x3  }
0x1ef: {  	v16 =	vand.u32 $0x7, v16;
	vm1 =	vmor vm3, vm1;
	v15 =	vand.u32 $0xFFFFFFC0, v15  }
0x1f0: {  	v61 =	vsel vm1, $0x1, v11;
	v15 =	vor.u32 v16, v15  }
0x1f1: {  	v62 =	vadd.s32 v17, v61;
	v63 =	vperm.xlane v15, v6  }
0x1f2: {  	vm1 =	vgt.s32 v62, $0x0  }
0x1f3: {  	v16 =	vnsel vm1, $0x0, v62;
	v17 =	vadd.s32 v8, v63  }
0x1f4: {  	vm1 =	vlt.s32 v20, v14;
	v16 =	vmin.u32 v16, $0xFFF  }
0x1f5: {  	v14 =	vnsel vm1, $0x1, v16  }
0x1f6: {  	[tilespmem:$0x180] =	vst v60;
	v14 =	vor.u32 v0, v14  }
0x1f7: {  	[tilespmem:$0x190] =	vst v14  }
0x1f8: {  	[tilespmem:s22], [sflag:$0x2] =	stream.indirect_vreg.gather [hbm4b:s1+s4], $0x80, v17, vm0, $0xb8;
	[tilespmem:$0x10A00] =	vst v63  }
0x1f9: {  	v14 =	vperm.xlane v15, v7  }
0x1fa: {  	[tilespmem:s21], [sflag:$0x2] =	stream.indirect_vreg.gather [hbm4b:s11+s4], $0x80, v17, vm0, $0xb8;
	[tilespmem:$0x10A00] =	vst v63  }
0x1fb: {  	v14 =	vadd.s32 v8, v14  }
0x1fc: {  	[tilespmem:s15], [sflag:$0x2] =	stream.indirect_vreg.gather [hbm4b:s12+s4], $0x80, v17, vm0, $0xb8;
	[tilespmem:$0x10A00] =	vst v63  }
0x1fd: {  	_ = 	snop  }
0x1fe: {  	[tilespmem:s5], [sflag:$0x2] =	stream.indirect_vreg.gather [hbm4b:s13+s4], $0x80, v17, vm0, $0xb8;
	[tilespmem:$0x10A00] =	vst v63  }
0x1ff: {  	_ = 	snop  }
0x200: {  	[tilespmem:s24], [sflag:$0x2] =	stream.indirect_vreg.gather [hbm4b:s1+s4], $0x80, v14, vm0, $0xb8;
	[tilespmem:$0x10A00] =	vst v63  }
0x201: {  	s6 =	simm.s32 $0xAA00  }
0x202: {  	[tilespmem:s6], [sflag:$0x2] =	stream.indirect_vreg.gather [hbm4b:s11+s4], $0x80, v14, vm0, $0xb8;
	[tilespmem:$0x10A00] =	vst v63  }
0x203: {  	_ = 	snop  }
0x204: {  	[tilespmem:s0], [sflag:$0x2] =	stream.indirect_vreg.gather [hbm4b:s12+s4], $0x80, v14, vm0, $0xb8;
	[tilespmem:$0x10A00] =	vst v63  }
0x205: {  	_ = 	snop  }
0x206: {  	[tilespmem:s16], [sflag:$0x2] =	stream.indirect_vreg.gather [hbm4b:s13+s4], $0x80, v14, vm0, $0xb8;
	[tilespmem:$0x10A00] =	vst v63  }
0x207: {  	v14 =	vld [tilespmem:$0x190];
	_ =	sdelay $0x4  }
0x208: {  	v15 =	vshll.u32 v14, $0x3  }
0x209: {  	v14 =	vand.u32 $0x7, v14;
	v15 =	vand.u32 $0xFFFFFFC0, v15  }
0x20a: {  	v14 =	vor.u32 v14, v15  }
0x20b: {  	v15 =	vperm.xlane v14, v6;
	_ =	sdelay $0x1  }
0x20c: {  	v15 =	vadd.s32 v8, v15;
	_ =	sdelay $0x4  }
0x20d: {  	[tilespmem:s25], [sflag:$0x2] =	stream.indirect_vreg.gather [hbm4b:s1+s4], $0x80, v15, vm0, $0xb8;
	[tilespmem:$0x10A00] =	vst v63  }
0x20e: {  	v14 =	vperm.xlane v14, v7  }
0x20f: {  	[tilespmem:s26], [sflag:$0x2] =	stream.indirect_vreg.gather [hbm4b:s11+s4], $0x80, v15, vm0, $0xb8;
	[tilespmem:$0x10A00] =	vst v63  }
0x210: {  	v14 =	vadd.s32 v8, v14  }
0x211: {  	[tilespmem:s28], [sflag:$0x2] =	stream.indirect_vreg.gather [hbm4b:s12+s4], $0x80, v15, vm0, $0xb8;
	[tilespmem:$0x10A00] =	vst v63  }
0x212: {  	_ = 	snop  }
0x213: {  	[tilespmem:s29], [sflag:$0x2] =	stream.indirect_vreg.gather [hbm4b:s13+s4], $0x80, v15, vm0, $0xb8;
	[tilespmem:$0x10A00] =	vst v63  }
0x214: {  	_ = 	snop  }
0x215: {  	[tilespmem:s30], [sflag:$0x2] =	stream.indirect_vreg.gather [hbm4b:s1+s4], $0x80, v14, vm0, $0xb8;
	[tilespmem:$0x10A00] =	vst v63  }
0x216: {  	_ = 	snop  }
0x217: {  	[tilespmem:s31], [sflag:$0x2] =	stream.indirect_vreg.gather [hbm4b:s11+s4], $0x80, v14, vm0, $0xb8;
	[tilespmem:$0x10A00] =	vst v63  }
0x218: {  	_ = 	snop  }
0x219: {  	[tilespmem:s2], [sflag:$0x2] =	stream.indirect_vreg.gather [hbm4b:s12+s4], $0x80, v14, vm0, $0xb8;
	[tilespmem:$0x10A00] =	vst v63  }
0x21a: {  	s0 =	simm.s32 $0xFA00  }
0x21b: {  	[tilespmem:s0], [sflag:$0x2] =	stream.indirect_vreg.gather [hbm4b:s13+s4], $0x80, v14, vm0, $0xb8;
	[tilespmem:$0x10A00] =	vst v63  }
0x21c: {  	_ =	swait.ge [sflag:s7], $0x8000  }
0x21d: {  	s2 =	rddreg [dreg:$0xa]  }
0x21e: {  	s6 =	sadd.s32 s14, s2  }
0x21f: {  	[sflag:s7] =	ssyncset.done $0x0;
	s6 =	sshll.u32 s6, $0x7  }
0x220: {  	[sflag:s7] =	ssyncadd.s32 $0xFFFF8000;
	s6 =	sadd.s32 s3, s6  }
0x221: {  	[hbm4b:s6+s4] =	stream.linear.scatter [tilespmem:s9], [sflag:$0x4], $0x8000, $0x38;
	[tilespmem:$0x10A00] =	vst v63  }
0x222: {  	_ =	swait.ge [sflag:s19], $0x8000  }
0x223: {  	[sflag:s19] =	ssyncset.done $0x0  }
0x224: {  	s28 =	simm.s32 $0x2;
	[sflag:s19] =	ssyncadd.s32 $0xFFFF8000  }
0x225: {  	_ =	swait.ge [sflag:s28], $0x8000  }
0x226: {  	s30 =	rddreg [dreg:$0x6]  }
0x227: {  	s6 =	sadd.s32 s30, s8  }
0x228: {  	[sflag:s28] =	ssyncset.done $0x0;
	s6 =	sshll.u32 s6, $0x7  }
0x229: {  	s5 =	simm.s32 $0x9A00;
	[sflag:s28] =	ssyncadd.s32 $0xFFFF8000;
	s6 =	sadd.s32 s3, s6  }
0x22a: {  	[hbm4b:s6+s4] =	stream.linear.scatter [tilespmem:s22], [sflag:$0x4], $0x8000, $0x38;
	[tilespmem:$0x10A00] =	vst v63  }
0x22b: {  	s16 =	smov.u32 s23;
	s25 =	smov.u32 s17;
	_ =	swait.ge [sflag:s19], $0x8000  }
0x22c: {  	s23 =	smov.u32 s16;
	s17 =	smov.u32 s25;
	[sflag:s19] =	ssyncset.done $0x0  }
0x22d: {  	s14 =	simm.s32 $0x2200;
	s8 =	simm.s32 $0x2A00;
	[sflag:s19] =	ssyncadd.s32 $0xFFFF8000  }
.LBB2_15:
0x22e: {  	p0 =	sgt.s32 s17, $0x7C0  }
.Ltmp9:
0x22f: {  	_ = 	snop;
	(pc) =	sbr.rel @p0 .LBB2_21-.Ltmp9, $2  }
0x230: {  	_ =	sdelay $0x2  }
0x231: {  	s17 =	rddreg [dreg:$0xf]  }
0x232: {  	_ =	sdelay $0x1  }
0x233: {  	[tilespmem:$0x100] =	vst v9  }
0x234: {  	[tilespmem:$0x110] =	vst v9  }
0x235: {  	[tilespmem:s9], [sflag:$0x1] =	stream.indirect_vreg.gather [hbm4b:s1+s4], $0x80, v12, vm0, $0xb8;
	[tilespmem:$0x10A00] =	vst v63  }
0x236: {  	_ = 	snop  }
0x237: {  	[tilespmem:s20], [sflag:$0x1] =	stream.indirect_vreg.gather [hbm4b:s11+s4], $0x80, v12, vm0, $0xb8;
	[tilespmem:$0x10A00] =	vst v63  }
0x238: {  	_ = 	snop  }
0x239: {  	[tilespmem:s18], [sflag:$0x1] =	stream.indirect_vreg.gather [hbm4b:s12+s4], $0x80, v12, vm0, $0xb8;
	[tilespmem:$0x10A00] =	vst v63  }
0x23a: {  	_ = 	snop  }
0x23b: {  	[tilespmem:s10], [sflag:$0x1] =	stream.indirect_vreg.gather [hbm4b:s13+s4], $0x80, v12, vm0, $0xb8;
	[tilespmem:$0x10A00] =	vst v63  }
0x23c: {  	_ = 	snop  }
0x23d: {  	[tilespmem:s14], [sflag:$0x1] =	stream.indirect_vreg.gather [hbm4b:s1+s4], $0x80, v13, vm0, $0xb8;
	[tilespmem:$0x10A00] =	vst v63  }
0x23e: {  	_ = 	snop  }
0x23f: {  	[tilespmem:s8], [sflag:$0x1] =	stream.indirect_vreg.gather [hbm4b:s11+s4], $0x80, v13, vm0, $0xb8;
	[tilespmem:$0x10A00] =	vst v63  }
0x240: {  	s2 =	simm.s32 $0x3200  }
0x241: {  	[tilespmem:s2], [sflag:$0x1] =	stream.indirect_vreg.gather [hbm4b:s12+s4], $0x80, v13, vm0, $0xb8;
	[tilespmem:$0x10A00] =	vst v63  }
0x242: {  	s6 =	simm.s32 $0x3A00  }
0x243: {  	[tilespmem:s6], [sflag:$0x1] =	stream.indirect_vreg.gather [hbm4b:s13+s4], $0x80, v13, vm0, $0xb8;
	[tilespmem:$0x10A00] =	vst v63  }
0x244: {  	v14 =	vld [tilespmem:$0x110];
	_ =	sdelay $0x4  }
0x245: {  	v15 =	vshll.u32 v14, $0x3  }
0x246: {  	v14 =	vand.u32 $0x7, v14;
	v15 =	vand.u32 $0xFFFFFFC0, v15  }
0x247: {  	v14 =	vor.u32 v14, v15  }
0x248: {  	v15 =	vperm.xlane v14, v6;
	_ =	sdelay $0x1  }
0x249: {  	v15 =	vadd.s32 v8, v15;
	_ =	sdelay $0x3  }
0x24a: {  	s8 =	simm.s32 $0x4200  }
0x24b: {  	[tilespmem:s8], [sflag:$0x1] =	stream.indirect_vreg.gather [hbm4b:s1+s4], $0x80, v15, vm0, $0xb8;
	[tilespmem:$0x10A00] =	vst v63  }
0x24c: {  	s10 =	simm.s32 $0x4A00;
	v14 =	vperm.xlane v14, v7  }
0x24d: {  	[tilespmem:s10], [sflag:$0x1] =	stream.indirect_vreg.gather [hbm4b:s11+s4], $0x80, v15, vm0, $0xb8;
	[tilespmem:$0x10A00] =	vst v63  }
0x24e: {  	s14 =	simm.s32 $0x5200;
	v14 =	vadd.s32 v8, v14  }
0x24f: {  	[tilespmem:s14], [sflag:$0x1] =	stream.indirect_vreg.gather [hbm4b:s12+s4], $0x80, v15, vm0, $0xb8;
	[tilespmem:$0x10A00] =	vst v63  }
0x250: {  	s15 =	simm.s32 $0x5A00  }
0x251: {  	[tilespmem:s15], [sflag:$0x1] =	stream.indirect_vreg.gather [hbm4b:s13+s4], $0x80, v15, vm0, $0xb8;
	[tilespmem:$0x10A00] =	vst v63  }
0x252: {  	s16 =	simm.s32 $0x6200  }
0x253: {  	[tilespmem:s16], [sflag:$0x1] =	stream.indirect_vreg.gather [hbm4b:s1+s4], $0x80, v14, vm0, $0xb8;
	[tilespmem:$0x10A00] =	vst v63  }
0x254: {  	s17 =	simm.s32 $0x6A00  }
0x255: {  	[tilespmem:s17], [sflag:$0x1] =	stream.indirect_vreg.gather [hbm4b:s11+s4], $0x80, v14, vm0, $0xb8;
	[tilespmem:$0x10A00] =	vst v63  }
0x256: {  	s18 =	simm.s32 $0x7200  }
0x257: {  	[tilespmem:s18], [sflag:$0x1] =	stream.indirect_vreg.gather [hbm4b:s12+s4], $0x80, v14, vm0, $0xb8;
	[tilespmem:$0x10A00] =	vst v63  }
0x258: {  	s21 =	simm.s32 $0x7A00  }
0x259: {  	[tilespmem:s21], [sflag:$0x1] =	stream.indirect_vreg.gather [hbm4b:s13+s4], $0x80, v14, vm0, $0xb8;
	[tilespmem:$0x10A00] =	vst v63  }
0x25a: {  	_ =	swait.ge [sflag:s7], $0x8000  }
0x25b: {  	s6 =	rddreg [dreg:$0x10]  }
0x25c: {  	s25 =	smax.u32 s23, $0x3F;
	s28 =	rddreg [dreg:$0xc];
	s6 =	sshll.u32 s6, $0x10  }
0x25d: {  	s21 =	sadd.s32 $0x1, s25;
	s8 =	sadd.s32 s6, s28;
	s6 =	sadd.s32 $0x1, s23  }
0x25e: {  	s14 =	sadd.s32 $0x10, s23;
	p1 =	sne.s32 s21, s6  }
.Ltmp10:
0x25f: {  	[sflag:s7] =	ssyncset.done $0x0;
	s30 =	sshrl.u32 s8, $0x3;
	(pc) =	sbr.rel @!p1 .LBB2_18-.Ltmp10, $4  }
0x260: {  	p0 =	slt.u32 s23, s14;
	[sflag:s7] =	ssyncadd.s32 $0xFFFF8000;
	s10 =	sadd.s32 s3, s30  }
0x261: {  	[hbm4b:s10+s4] =	stream.linear.scatter [tilespmem:s9], [sflag:$0x3], $0x8000, $0x38;
	[tilespmem:$0x10A00] =	vst v63  }
0x262: {  	s10 =	simm.s32 @!p0 $0x3  }
0x263: {  	s0 =	ssub.s32 $0x40, s23;
	_ =	swait.ge @!p0 [sflag:s10], $0x8000  }
.LBB2_17:
0x264: {  	s15 =	smov.u32 s6;
	s6 =	sadd.s32 $0x1, s6  }
0x265: {  	[sflag:s10] =	ssyncset.done @!p0 $0x0;
	s8 =	sadd.s32 $0x8000, s8;
	p1 =	sne.s32 s21, s6  }
.Ltmp11:
0x266: {  	s18 =	sshrl.u32 s8, $0x3;
	[sflag:s10] =	ssyncadd.s32 @!p0 $0xFFFF8000;
	(pc) =	sbr.rel @p1 .LBB2_17-.Ltmp11, $4  }
0x267: {  	p0 =	slt.u32 s15, s14;
	s10 =	sadd.s32 s3, s18  }
0x268: {  	[hbm4b:s10+s4] =	stream.linear.scatter [tilespmem:s9], [sflag:$0x3], $0x8000, $0x38;
	[tilespmem:$0x10A00] =	vst v63  }
0x269: {  	s10 =	simm.s32 @!p0 $0x3  }
0x26a: {  	_ =	swait.ge @!p0 [sflag:s10], $0x8000  }
.LBB2_18:
0x26b: {  	p1 =	sgt.s32 s0, $0x1  }
0x26c: {  	s0 =	simm.s32 @!p1 $0x1  }
0x26d: {  	[sflag:s10] =	ssyncset.done @!p0 $0x0;
	s6 =	smin.u32 s0, $0x10  }
0x26e: {  	[sflag:s10] =	ssyncadd.s32 @!p0 $0xFFFF8000;
	p0 =	sne.s32 s6, $0x1  }
.Ltmp12:
0x26f: {  	_ = 	snop;
	(pc) =	sbr.rel @!p0 .LBB2_20-.Ltmp12, $4  }
0x270: {  	_ = 	snop  }
0x271: {  	s8 =	simm.s32 $0x3  }
0x272: {  	_ =	swait.ge [sflag:s8], $0x8000  }
0x273: {  	s6 =	sadd.s32 $0xFFFFFFFF, s6;
	[sflag:s8] =	ssyncset.done $0x0  }
.LBB2_19:
0x274: {  	p0 =	sne.s32 s6, $0x1;
	s6 =	sadd.s32 $0xFFFFFFFF, s6;
	[sflag:s8] =	ssyncadd.s32 $0xFFFF8000  }
.Ltmp13:
0x275: {  	(pc) =	sbr.rel @p0 .LBB2_19-.Ltmp13, $3  }
0x276: {  	_ =	sdelay $0x1  }
0x277: {  	_ =	swait.ge [sflag:s8], $0x8000  }
0x278: {  	[sflag:s8] =	ssyncset.done $0x0  }
.Ltmp14:
0x279: {  	_ = 	snop;
	(pc) =	sbr.rel .LBB2_20-.Ltmp14, $1  }
0x27a: {  	_ =	sdelay $0x3  }
.LBB2_7:
0x27b: {  	s6 =	rddreg [dreg:$0xc]  }
0x27c: {  	s21 =	rddreg [dreg:$0xe]  }
0x27d: {  	s17 =	simm.s32 $0xFA00;
	s2 =	simm.s32 $0xEA00;
	s31 =	simm.s32 $0xF200  }
.Ltmp15:
0x27e: {  	s30 =	simm.s32 $0xDA00;
	s29 =	simm.s32 $0xE200;
	(pc) =	sbr.rel .LBB2_12-.Ltmp15, $4  }
0x27f: {  	s28 =	simm.s32 $0xCA00;
	s26 =	simm.s32 $0xD200;
	s25 =	simm.s32 $0xA200  }
0x280: {  	s24 =	simm.s32 $0xC200;
	s10 =	simm.s32 $0x8200;
	s22 =	simm.s32 $0x9A00  }
0x281: {  	s5 =	simm.s32 $0xBA00;
	s16 =	simm.s32 $0xAA00;
	s0 =	simm.s32 $0x9200  }
0x282: {  	s15 =	simm.s32 $0x1200;
	s18 =	simm.s32 $0xA00;
	s20 =	simm.s32 $0xB200  }
.LBB2_9:
0x283: {  	s6 =	rddreg [dreg:$0xc]  }
0x284: {  	s21 =	rddreg [dreg:$0xe]  }
0x285: {  	s0 =	simm.s32 $0x9200;
	s22 =	simm.s32 $0x9A00;
	s25 =	simm.s32 $0xA200  }
0x286: {  	s16 =	simm.s32 $0xAA00;
	s20 =	simm.s32 $0xB200;
	s5 =	simm.s32 $0xBA00  }
.Ltmp16:
0x287: {  	s24 =	simm.s32 $0xC200;
	s28 =	simm.s32 $0xCA00;
	(pc) =	sbr.rel .LBB2_12-.Ltmp16, $4  }
0x288: {  	s26 =	simm.s32 $0xD200;
	s30 =	simm.s32 $0xDA00;
	s29 =	simm.s32 $0xE200  }
0x289: {  	s2 =	simm.s32 $0xEA00;
	s31 =	simm.s32 $0xF200;
	s17 =	simm.s32 $0xFA00  }
0x28a: {  	s10 =	simm.s32 $0x8200;
	s7 =	simm.s32 $0x1;
	s9 =	simm.s32 $0x200  }
0x28b: {  	s18 =	simm.s32 $0xA00;
	s15 =	simm.s32 $0x1200;
	s23 =	rddreg [dreg:$0x12]  }
.LBB2_22:
0x28c: {  	_ =	sfence.sel $0x180000  }
0x28d: {  	[bflag:$0x0] =	sbarrier.arrive $0xFFFF  }
0x28e: {  	_ =	strace $0x90000047  }
0x28f: {  	s0 =	stileid.u32;
	[bflag:$0x2] =	sbarrier.arrive $0xFFFF  }
0x290: {  	p0 =	sne.s32 s0, $0x0;
	s0 =	rddreg [dreg:$0x4]  }
0x291: {  	s0 =	sadd.s32 @!p0 $0x100000, s0  }
0x292: {  	[sflag:s0] =	ssyncadd.tile.s32 @!p0 $0x1;
	_ =	shalt  }
.Lfunc_end2:
_tile_overlayer_lowered:
.L_overlay_start_2:
0x293: {  	(tag) =	ssettag $0x2  }
0x294: {  	s0 =	rddreg [dreg:$0x0];
	s2 =	stileid.u32  }
0x295: {  	s1 =	rddreg [dreg:$0x1];
	p0 =	sne.s32 s2, $0x0  }
0x296: {  	s3 =	rddreg [dreg:$0x2];
	[bflag:$0x3] =	sbarrier.arrive $0xFFFF;
	s2 =	simm.s32 @!p0 $0x1C04  }
0x297: {  	[timem:s3], [sflag:s2] =	dma.local @!p0 [hbm:s0], s1  }
0x298: {  	s0 =	simm.s32 @!p0 $0x4  }
0x299: {  	_ =	swait.ge @!p0 [sflag:s0], s1  }
0x29a: {  	s1 =	ssub.s32 @!p0 $0x0, s1;
	[sflag:s0] =	ssyncset.done @!p0 $0x0  }
0x29b: {  	[sflag:s0] =	ssyncadd.s32 @!p0 s1  }
0x29c: {  	[bflag:$0x3] =	sbarrier.arrive $0xFFFF  }
0x29d: {  	_ =	shalt  }

</sc_bundles>
